<compile_context>
chip_gen: v7x
topology: tpu7x:2x2x1
jax: 0.10.2.dev20260603
libtpu: 0.0.44.dev20260713+nightly
codegen_flags: <defaults>
</compile_context>

<pallas_src>
import functools

import jax
import jax.numpy as jnp
from jax import lax
from jax.experimental import pallas as pl
from jax.experimental.pallas import tpu as pltpu
from jax.experimental.pallas import tpu_sc as plsc

N = 10000
E = 320000
DIN = 128
DH = 128
DOUT = 64

NC = 2
NS = 16
NW = NC * NS
CHUNK = 128

NACC = 10240
ROWS_PER_TILE = NACC // NS
ZR = 128

EF = E + N
CPT = 82
EPT = CPT * CHUNK
EP = EPT * NW
NCHUNK = EP // CHUNK
CPTA = NCHUNK // NS

ROW_BLOCK = 1024
GRID = (N + ROW_BLOCK - 1) // ROW_BLOCK

_mesh = plsc.VectorSubcoreMesh(core_axis_name="c", subcore_axis_name="s")
_sc_params = pltpu.CompilerParams(use_tc_tiling_on_sc=False)



def _sc_degree(dst_chunks):

    @functools.partial(
        pl.kernel,
        out_type=jax.ShapeDtypeStruct((NC, NACC), jnp.float32),
        mesh=_mesh,
        compiler_params=_sc_params,
        scratch_types=[
            pltpu.VMEM_SHARED((NACC,), jnp.float32),
            pltpu.VMEM((CPT, CHUNK), jnp.int32),
            pltpu.VMEM((CHUNK,), jnp.float32),
            pltpu.VMEM((ROWS_PER_TILE,), jnp.float32),
        ],
    )
    def deg_kernel(dst_hbm, out_hbm, acc_sh, idx_v, ones_v, zeros_v):
        c = lax.axis_index("c")
        s = lax.axis_index("s")
        wid = c * NS + s

        @pl.loop(0, ROWS_PER_TILE, step=16)
        def _(i):
            zeros_v[pl.ds(i, 16)] = jnp.zeros((16,), jnp.float32)

        @pl.loop(0, CHUNK, step=16)
        def _(i):
            ones_v[pl.ds(i, 16)] = jnp.ones((16,), jnp.float32)

        row0 = s * ROWS_PER_TILE
        pltpu.sync_copy(zeros_v, acc_sh.at[pl.ds(row0, ROWS_PER_TILE)])
        pltpu.sync_copy(dst_hbm.at[pl.ds(wid * CPT, CPT)], idx_v)
        plsc.subcore_barrier()

        @pl.loop(0, CPT)
        def _(ch):
            pltpu.sync_copy(ones_v, acc_sh.at[idx_v.at[ch]], add=True)

        plsc.subcore_barrier()
        pltpu.sync_copy(acc_sh.at[pl.ds(row0, ROWS_PER_TILE)],
                        out_hbm.at[c, pl.ds(row0, ROWS_PER_TILE)])

    return deg_kernel(dst_chunks)


def _sc_aggregate(src_chunks, dst_chunks, y_pair, dh):

    @functools.partial(
        pl.kernel,
        out_type=jax.ShapeDtypeStruct((NC, NACC, dh), jnp.float32),
        mesh=_mesh,
        compiler_params=_sc_params,
        scratch_types=[
            pltpu.VMEM_SHARED((NACC, dh), jnp.float32),
            pltpu.VMEM((CPTA, CHUNK), jnp.int32),
            pltpu.VMEM((CHUNK,), jnp.int32),
            pltpu.VMEM((CHUNK,), jnp.int32),
            pltpu.VMEM((CHUNK, dh), jnp.float32),
            pltpu.VMEM((CHUNK, dh), jnp.float32),
            pltpu.SemaphoreType.DMA,
            pltpu.SemaphoreType.DMA,
            pltpu.SemaphoreType.DMA,
            pltpu.SemaphoreType.DMA,
        ],
    )
    def agg_kernel(src_hbm, dst_hbm, y_hbm, out_hbm,
                   acc_sh, src_v, dst0, dst1, rows0, rows1,
                   sg0, sg1, sd0, sd1):
        c = lax.axis_index("c")
        s = lax.axis_index("s")
        y_c = y_hbm.at[c]

        @pl.loop(0, CHUNK)
        def _(r):
            for j in range(dh // 16):
                rows0[r, pl.ds(j * 16, 16)] = jnp.zeros((16,), jnp.float32)

        row0 = s * ROWS_PER_TILE

        @pl.loop(0, ROWS_PER_TILE, step=CHUNK)
        def _(r):
            pltpu.sync_copy(rows0, acc_sh.at[pl.ds(row0 + r, CHUNK)])

        crow0 = s * CPTA
        pltpu.sync_copy(src_hbm.at[pl.ds(crow0, CPTA)], src_v)
        plsc.subcore_barrier()

        pltpu.async_copy(y_c.at[src_v.at[0]], rows0, sg0)
        pltpu.async_copy(dst_hbm.at[crow0], dst0, sd0)

        @pl.loop(0, CPTA, step=2)
        def _(ch):
            crow = crow0 + ch
            pltpu.async_copy(y_c.at[src_v.at[ch + 1]], rows1, sg1)
            pltpu.async_copy(dst_hbm.at[crow + 1], dst1, sd1)
            pltpu.make_async_copy(y_c.at[src_v.at[ch]], rows0, sg0).wait()
            pltpu.make_async_copy(dst_hbm.at[crow], dst0, sd0).wait()
            pltpu.sync_copy(rows0, acc_sh.at[dst0], add=True)

            @pl.when(ch + 2 < CPTA)
            def _():
                pltpu.async_copy(y_c.at[src_v.at[ch + 2]], rows0, sg0)
                pltpu.async_copy(dst_hbm.at[crow + 2], dst0, sd0)

            pltpu.make_async_copy(y_c.at[src_v.at[ch + 1]], rows1,
                                  sg1).wait()
            pltpu.make_async_copy(dst_hbm.at[crow + 1], dst1, sd1).wait()
            pltpu.sync_copy(rows1, acc_sh.at[dst1], add=True)

        plsc.subcore_barrier()
        pltpu.sync_copy(acc_sh.at[pl.ds(row0, ROWS_PER_TILE)],
                        out_hbm.at[c, pl.ds(row0, ROWS_PER_TILE)])

    return agg_kernel(src_chunks, dst_chunks, y_pair)



def _tc_matmul(x, w):
    dout = w.shape[1]

    def body(x_ref, w_ref, o_ref):
        o_ref[...] = jnp.dot(x_ref[...], w_ref[...],
                             preferred_element_type=jnp.float32)

    return pl.pallas_call(
        body,
        grid=(GRID,),
        in_specs=[
            pl.BlockSpec((ROW_BLOCK, x.shape[1]), lambda i: (i, 0)),
            pl.BlockSpec((w.shape[0], dout), lambda i: (0, 0)),
        ],
        out_specs=pl.BlockSpec((ROW_BLOCK, dout), lambda i: (i, 0)),
        out_shape=jax.ShapeDtypeStruct((N, dout), jnp.float32),
    )(x, w)


def _tc_scale(xw, deg_a, deg_b):
    dh = DH // 2

    def body(xw_ref, da_ref, db_ref, y_ref, dinv_ref):
        dinv = lax.rsqrt(jnp.maximum(da_ref[...] + db_ref[...], 1e-12))
        dinv_ref[...] = dinv
        y = xw_ref[...] * dinv
        y_ref[0] = y[:, :dh]
        y_ref[1] = y[:, dh:]

    return pl.pallas_call(
        body,
        grid=(GRID,),
        in_specs=[
            pl.BlockSpec((ROW_BLOCK, DH), lambda i: (i, 0)),
            pl.BlockSpec((ROW_BLOCK, 1), lambda i: (i, 0)),
            pl.BlockSpec((ROW_BLOCK, 1), lambda i: (i, 0)),
        ],
        out_specs=[
            pl.BlockSpec((2, ROW_BLOCK, dh), lambda i: (0, i, 0)),
            pl.BlockSpec((ROW_BLOCK, 1), lambda i: (i, 0)),
        ],
        out_shape=[
            jax.ShapeDtypeStruct((2, N, dh), jnp.float32),
            jax.ShapeDtypeStruct((N, 1), jnp.float32),
        ],
    )(xw, deg_a, deg_b)


def _tc_layer2_in(s1, dinv, b1, w2):
    dh = DH // 2
    do2 = DOUT // 2

    def body(s_ref, dinv_ref, b1_ref, w2_ref, y2_ref):
        dinv = dinv_ref[...]
        b1 = b1_ref[...]
        w2 = w2_ref[...]
        ha = jnp.maximum(dinv * s_ref[0] + b1[:, :dh], 0.0)
        hb = jnp.maximum(dinv * s_ref[1] + b1[:, dh:], 0.0)
        y2 = dinv * (jnp.dot(ha, w2[:dh], preferred_element_type=jnp.float32)
                     + jnp.dot(hb, w2[dh:],
                               preferred_element_type=jnp.float32))
        y2_ref[0] = y2[:, :do2]
        y2_ref[1] = y2[:, do2:]

    return pl.pallas_call(
        body,
        grid=(GRID,),
        in_specs=[
            pl.BlockSpec((2, ROW_BLOCK, dh), lambda i: (0, i, 0)),
            pl.BlockSpec((ROW_BLOCK, 1), lambda i: (i, 0)),
            pl.BlockSpec((1, DH), lambda i: (0, 0)),
            pl.BlockSpec((DH, DOUT), lambda i: (0, 0)),
        ],
        out_specs=pl.BlockSpec((2, ROW_BLOCK, do2), lambda i: (0, i, 0)),
        out_shape=jax.ShapeDtypeStruct((2, N, do2), jnp.float32),
    )(s1, dinv, b1, w2)


def _tc_final(s2, dinv, b2):
    do2 = DOUT // 2

    def body(s_ref, dinv_ref, b2_ref, o_ref):
        dinv = dinv_ref[...]
        b2 = b2_ref[...]
        o_ref[:, :do2] = dinv * s_ref[0] + b2[:, :do2]
        o_ref[:, do2:] = dinv * s_ref[1] + b2[:, do2:]

    return pl.pallas_call(
        body,
        grid=(GRID,),
        in_specs=[
            pl.BlockSpec((2, ROW_BLOCK, do2), lambda i: (0, i, 0)),
            pl.BlockSpec((ROW_BLOCK, 1), lambda i: (i, 0)),
            pl.BlockSpec((1, DOUT), lambda i: (0, 0)),
        ],
        out_specs=pl.BlockSpec((ROW_BLOCK, DOUT), lambda i: (i, 0)),
        out_shape=jax.ShapeDtypeStruct((N, DOUT), jnp.float32),
    )(s2, dinv, b2)



def kernel(x, edge_index, W1, b1, W2, b2):
    src = edge_index[0]
    dst = edge_index[1]
    loop = jnp.arange(N, dtype=jnp.int32)
    pad = EP - EF
    src_full = jnp.concatenate([src, loop, jnp.zeros((pad,), jnp.int32)])
    dst_full = jnp.concatenate([dst, loop, jnp.full((pad,), N, jnp.int32)])
    src_chunks = src_full.reshape(NCHUNK, CHUNK)
    dst_chunks = dst_full.reshape(NCHUNK, CHUNK)

    deg_p = _sc_degree(dst_chunks)
    deg_a = deg_p[0].reshape(NACC, 1)
    deg_b = deg_p[1].reshape(NACC, 1)

    xw1 = _tc_matmul(x, W1)
    y1p, dinv = _tc_scale(xw1, deg_a, deg_b)

    s1 = _sc_aggregate(src_chunks, dst_chunks, y1p, DH // 2)
    y2p = _tc_layer2_in(s1, dinv, b1.reshape(1, DH), W2)

    s2 = _sc_aggregate(src_chunks, dst_chunks, y2p, DOUT // 2)
    return _tc_final(s2, dinv, b2.reshape(1, DOUT))

# --- scband reference (transcript-rebuilt; emitter-appended) ---
"""Pipeline reference for scband-encoder-2353642078838 (READ-ONLY COPY).

The authoritative reference and input builder live on the scoring server;
editing this copy changes nothing except your own understanding.
"""

import jax, jax.numpy as jnp
import numpy as np

N = 10000
E = 320000
DIN = 128
DH = 128
DOUT = 64


def setup_inputs(seed: int = 0) -> dict:
    key = jax.random.key(seed)
    k1, k2, k3, k4, k5 = jax.random.split(key, 5)
    x = jax.random.normal(k1, (N, DIN), dtype=jnp.float32)
    edge_index = jax.random.randint(k2, (2, E), 0, N, dtype=jnp.int32)
    # GCNConv weights (glorot-style init) and zero biases, per PyG GCNConv
    W1 = jax.random.normal(k3, (DIN, DH), dtype=jnp.float32) * (1.0 / np.sqrt(DIN))
    b1 = jnp.zeros((DH,), dtype=jnp.float32)
    W2 = jax.random.normal(k4, (DH, DOUT), dtype=jnp.float32) * (1.0 / np.sqrt(DH))
    b2 = jnp.zeros((DOUT,), dtype=jnp.float32)
    return {"x": x, "edge_index": edge_index, "W1": W1, "b1": b1, "W2": W2, "b2": b2}


def gcn_conv(x, edge_index, W, b):
    # Faithful PyG GCNConv: add self-loops, symmetric D^-1/2 (A+I) D^-1/2 normalization
    n = x.shape[0]
    src = edge_index[0]
    dst = edge_index[1]
    loop = jnp.arange(n, dtype=src.dtype)
    src = jnp.concatenate([src, loop])
    dst = jnp.concatenate([dst, loop])
    deg = jnp.zeros((n,), dtype=x.dtype).at[dst].add(1.0)
    dinv = jax.lax.rsqrt(jnp.maximum(deg, 1e-12))
    norm = dinv[src] * dinv[dst]
    xw = x @ W
    msg = jnp.take(xw, src, axis=0) * norm[:, None]
    out = jnp.zeros((n, W.shape[1]), dtype=x.dtype).at[dst].add(msg)
    return out + b


def reference(x, edge_index, W1, b1, W2, b2):
    # Encoder forward with args.model == 'GAE'
    h = jax.nn.relu(gcn_conv(x, edge_index, W1, b1))
    return gcn_conv(h, edge_index, W2, b2)

if __name__ == "__main__":
    import jax
    _d = setup_inputs()
    print(jax.jit(kernel)(*tuple(_d.values())))

</pallas_src>

<mosaic_0001>
#map = affine_map<(d0, d1) -> (0, 0)>
#map1 = affine_map<(d0, d1) -> (0, 0, 0)>
module attributes {stable_mosaic.version = 14 : i64} {
  func.func @agg_kernel(%arg0: i32, %arg1: i32, %arg2: memref<2624x128xi32, #tpu.memory_space<hbm>>, %arg3: memref<2624x128xi32, #tpu.memory_space<hbm>>, %arg4: memref<2x10000x32xf32, #tpu.memory_space<hbm>>, %arg5: memref<2x10240x32xf32, #tpu.memory_space<hbm>>, %arg6: memref<10240x32xf32, #tpu.memory_space<vmem_shared>>, %arg7: memref<164x128xi32, #tpu.memory_space<vmem>>, %arg8: memref<128xi32, #tpu.memory_space<vmem>>, %arg9: memref<128xi32, #tpu.memory_space<vmem>>, %arg10: memref<128x32xf32, #tpu.memory_space<vmem>>, %arg11: memref<128x32xf32, #tpu.memory_space<vmem>>, %arg12: memref<!tpu.dma_semaphore, #tpu.memory_space<semaphore_mem>>, %arg13: memref<!tpu.dma_semaphore, #tpu.memory_space<semaphore_mem>>, %arg14: memref<!tpu.dma_semaphore, #tpu.memory_space<semaphore_mem>>, %arg15: memref<!tpu.dma_semaphore, #tpu.memory_space<semaphore_mem>>) attributes {dimension_semantics = [#tpu.dimension_semantics<core_parallel>, #tpu.dimension_semantics<subcore_parallel>], iteration_bounds = array<i64: 2, 16>, scalar_prefetch = 0 : i64, scratch_operands = 10 : i64, tpu.core_type = #tpu.core_type<sc_vector_subcore>, window_params = [{transform_indices = #map}, {transform_indices = #map}, {transform_indices = #map1}, {transform_indices = #map1}]} {
    %scan3A = arith.constant 0 : i32
    %scan3A_0 = arith.constant 128 : i32
    %scan3A_1 = arith.addi %scan3A, %scan3A_0 : i32
    %scan3A_2 = arith.constant 1 : i32
    scf.for %scan3A_34 = %scan3A to %scan3A_1 step %scan3A_2  : i32 {
      %mul3A_35 = arith.constant 1 : i32
      %mul3A_36 = arith.muli %scan3A_34, %mul3A_35 : i32
      %add3A = arith.constant 0 : i32
      %add3A_37 = arith.addi %add3A, %mul3A_36 : i32
      %broadcast_in_dim3A = arith.constant 0.000000e+00 : f32
      %broadcast_in_dim3A_38 = vector.broadcast %broadcast_in_dim3A : f32 to vector<16xf32>
      %swap3A = arith.index_cast %add3A_37 : i32 to index
      %swap3A_39 = arith.constant 0 : index
      %swap3A_40 = tpu.vector_load %arg10[%swap3A, %swap3A_39] {strides = array<i32>} : memref<128x32xf32, #tpu.memory_space<vmem>>, vector<1x16xf32>,
      %swap3A_41 = vector.shape_cast %swap3A_40 : vector<1x16xf32> to vector<16xf32>
      %swap3A_42 = vector.shape_cast %broadcast_in_dim3A_38 : vector<16xf32> to vector<1x16xf32>
      tpu.vector_store %arg10[%swap3A, %swap3A_39], %swap3A_42 {strides = array<i32>} : memref<128x32xf32, #tpu.memory_space<vmem>>, vector<1x16xf32>,
      %broadcast_in_dim3A_43 = arith.constant 0.000000e+00 : f32
      %broadcast_in_dim3A_44 = vector.broadcast %broadcast_in_dim3A_43 : f32 to vector<16xf32>
      %swap3A_45 = arith.index_cast %add3A_37 : i32 to index
      %swap3A_46 = arith.constant 16 : index
      %swap3A_47 = tpu.vector_load %arg10[%swap3A_45, %swap3A_46] {strides = array<i32>} : memref<128x32xf32, #tpu.memory_space<vmem>>, vector<1x16xf32>,
      %swap3A_48 = vector.shape_cast %swap3A_47 : vector<1x16xf32> to vector<16xf32>
      %swap3A_49 = vector.shape_cast %broadcast_in_dim3A_44 : vector<16xf32> to vector<1x16xf32>
      tpu.vector_store %arg10[%swap3A_45, %swap3A_46], %swap3A_49 {strides = array<i32>} : memref<128x32xf32, #tpu.memory_space<vmem>>, vector<1x16xf32>,
    }
    %scan3A_3 = arith.constant 128 : i32
    %mul3A = arith.constant 640 : i32
    %mul3A_4 = arith.muli %arg1, %mul3A : i32
    %scan3A_5 = arith.constant 0 : i32
    %scan3A_6 = arith.constant 5 : i32
    %scan3A_7 = arith.addi %scan3A_5, %scan3A_6 : i32
    %scan3A_8 = arith.constant 1 : i32
    scf.for %scan3A_34 = %scan3A_5 to %scan3A_7 step %scan3A_8  : i32 {
      %mul3A_35 = arith.constant 128 : i32
      %mul3A_36 = arith.muli %scan3A_34, %mul3A_35 : i32
      %add3A = arith.constant 0 : i32
      %add3A_37 = arith.addi %add3A, %mul3A_36 : i32
      %add3A_38 = arith.addi %mul3A_4, %add3A_37 : i32
      "tpu.region"() ({
        %run_scoped3A = tpu.sem_alloc : memref<!tpu.dma_semaphore, #tpu.memory_space<semaphore_mem>>
        %dma_start3A_39 = arith.constant 0 : i32
        %dma_start3A_40 = tpu.memref_slice %arg6[%add3A_38, %dma_start3A_39] : memref<10240x32xf32, #tpu.memory_space<vmem_shared>> -> memref<128x32xf32, #tpu.memory_space<vmem_shared>>
        %dma_start3A_41 = arith.constant 0 : i32
        %dma_start3A_42 = tpu.memref_slice %arg6[%add3A_38, %dma_start3A_41] : memref<10240x32xf32, #tpu.memory_space<vmem_shared>> -> memref<128x32xf32, #tpu.memory_space<vmem_shared>>
        tpu.enqueue_dma source(%arg10 : memref<128x32xf32, #tpu.memory_space<vmem>>) target(%dma_start3A_42 : memref<128x32xf32, #tpu.memory_space<vmem_shared>>) target_semaphore(%run_scoped3A : memref<!tpu.dma_semaphore, #tpu.memory_space<semaphore_mem>>)
        %dma_wait3A = arith.constant 0 : i32
        %dma_wait3A_43 = tpu.memref_slice %arg6[%add3A_38, %dma_wait3A] : memref<10240x32xf32, #tpu.memory_space<vmem_shared>> -> memref<128x32xf32, #tpu.memory_space<vmem_shared>>
        %dma_wait3A_44 = arith.constant 0 : i32
        %dma_wait3A_45 = tpu.memref_slice %arg6[%add3A_38, %dma_wait3A_44] : memref<10240x32xf32, #tpu.memory_space<vmem_shared>> -> memref<128x32xf32, #tpu.memory_space<vmem_shared>>
        tpu.wait_dma2 semaphore(%run_scoped3A : memref<!tpu.dma_semaphore, #tpu.memory_space<semaphore_mem>>) src(%arg10 : memref<128x32xf32, #tpu.memory_space<vmem>>) dst(%dma_wait3A_45 : memref<128x32xf32, #tpu.memory_space<vmem_shared>>)
        tpu.yield
      }) : () -> ()
    }
    %scan3A_9 = arith.constant 5 : i32
    %mul3A_10 = arith.constant 164 : i32
    %mul3A_11 = arith.muli %arg1, %mul3A_10 : i32
    "tpu.region"() ({
      %run_scoped3A = tpu.sem_alloc : memref<!tpu.dma_semaphore, #tpu.memory_space<semaphore_mem>>
      %dma_start3A_34 = arith.constant 0 : i32
      %dma_start3A_35 = tpu.memref_slice %arg2[%mul3A_11, %dma_start3A_34] : memref<2624x128xi32, #tpu.memory_space<hbm>> -> memref<164x128xi32, #tpu.memory_space<hbm>>
      %dma_start3A_36 = arith.constant 0 : i32
      %dma_start3A_37 = tpu.memref_slice %arg2[%mul3A_11, %dma_start3A_36] : memref<2624x128xi32, #tpu.memory_space<hbm>> -> memref<164x128xi32, #tpu.memory_space<hbm>>
      tpu.enqueue_dma source(%dma_start3A_37 : memref<164x128xi32, #tpu.memory_space<hbm>>) target(%arg7 : memref<164x128xi32, #tpu.memory_space<vmem>>) target_semaphore(%run_scoped3A : memref<!tpu.dma_semaphore, #tpu.memory_space<semaphore_mem>>)
      %dma_wait3A = arith.constant 0 : i32
      %dma_wait3A_38 = tpu.memref_slice %arg2[%mul3A_11, %dma_wait3A] : memref<2624x128xi32, #tpu.memory_space<hbm>> -> memref<164x128xi32, #tpu.memory_space<hbm>>
      %dma_wait3A_39 = arith.constant 0 : i32
      %dma_wait3A_40 = tpu.memref_slice %arg2[%mul3A_11, %dma_wait3A_39] : memref<2624x128xi32, #tpu.memory_space<hbm>> -> memref<164x128xi32, #tpu.memory_space<hbm>>
      tpu.wait_dma2 semaphore(%run_scoped3A : memref<!tpu.dma_semaphore, #tpu.memory_space<semaphore_mem>>) src(%dma_wait3A_40 : memref<164x128xi32, #tpu.memory_space<hbm>>) dst(%arg7 : memref<164x128xi32, #tpu.memory_space<vmem>>)
      tpu.yield
    }) : () -> ()
    %barrier3A = arith.constant 0 : index
    tpu.barrier barrier_id(%barrier3A)
    %dma_start3A = arith.constant 0 : i32
    %dma_start3A_12 = arith.constant 0 : i32
    %dma_start3A_13 = tpu.memref_slice %arg7[%dma_start3A, %dma_start3A_12] : memref<164x128xi32, #tpu.memory_space<vmem>> -> memref<1x128xi32, #tpu.memory_space<vmem>>
    %dma_start3A_14 = tpu.memref_squeeze %dma_start3A_13 : memref<1x128xi32, #tpu.memory_space<vmem>> -> memref<128xi32, #tpu.memory_space<vmem>>
    %dma_start3A_15 = arith.constant 0 : i32
    %dma_start3A_16 = arith.constant 0 : i32
    %dma_start3A_17 = tpu.memref_slice %arg4[%arg0, %dma_start3A_15, %dma_start3A_16] : memref<2x10000x32xf32, #tpu.memory_space<hbm>> -> memref<1x10000x32xf32, #tpu.memory_space<hbm>>
    %dma_start3A_18 = tpu.memref_squeeze %dma_start3A_17 : memref<1x10000x32xf32, #tpu.memory_space<hbm>> -> memref<10000x32xf32, #tpu.memory_space<hbm>>
    %dma_start3A_19 = arith.constant 0 : i32
    %dma_start3A_20 = arith.constant 0 : i32
    %dma_start3A_21 = tpu.memref_slice %dma_start3A_18[%dma_start3A_19, %dma_start3A_20] : memref<10000x32xf32, #tpu.memory_space<hbm>> -> memref<10000x32xf32, #tpu.memory_space<hbm>>
    tpu.enqueue_indirect_dma source(%dma_start3A_21 : memref<10000x32xf32, #tpu.memory_space<hbm>>) target(%arg10 : memref<128x32xf32, #tpu.memory_space<vmem>>) offsets(%dma_start3A_14 : memref<128xi32, #tpu.memory_space<vmem>>) semaphore(%arg12 : memref<!tpu.dma_semaphore, #tpu.memory_space<semaphore_mem>>)
    %dma_start3A_22 = arith.constant 0 : i32
    %dma_start3A_23 = tpu.memref_slice %arg3[%mul3A_11, %dma_start3A_22] : memref<2624x128xi32, #tpu.memory_space<hbm>> -> memref<1x128xi32, #tpu.memory_space<hbm>>
    %dma_start3A_24 = tpu.memref_squeeze %dma_start3A_23 : memref<1x128xi32, #tpu.memory_space<hbm>> -> memref<128xi32, #tpu.memory_space<hbm>>
    %dma_start3A_25 = arith.constant 0 : i32
    %dma_start3A_26 = tpu.memref_slice %arg3[%mul3A_11, %dma_start3A_25] : memref<2624x128xi32, #tpu.memory_space<hbm>> -> memref<1x128xi32, #tpu.memory_space<hbm>>
    %dma_start3A_27 = tpu.memref_squeeze %dma_start3A_26 : memref<1x128xi32, #tpu.memory_space<hbm>> -> memref<128xi32, #tpu.memory_space<hbm>>
    tpu.enqueue_dma source(%dma_start3A_27 : memref<128xi32, #tpu.memory_space<hbm>>) target(%arg8 : memref<128xi32, #tpu.memory_space<vmem>>) target_semaphore(%arg14 : memref<!tpu.dma_semaphore, #tpu.memory_space<semaphore_mem>>)
    %scan3A_28 = arith.constant 0 : i32
    %scan3A_29 = arith.constant 82 : i32
    %scan3A_30 = arith.addi %scan3A_28, %scan3A_29 : i32
    %scan3A_31 = arith.constant 1 : i32
    scf.for %scan3A_34 = %scan3A_28 to %scan3A_30 step %scan3A_31  : i32 {
      %mul3A_35 = arith.constant 2 : i32
      %mul3A_36 = arith.muli %scan3A_34, %mul3A_35 : i32
      %add3A = arith.constant 0 : i32
      %add3A_37 = arith.addi %add3A, %mul3A_36 : i32
      %add3A_38 = arith.addi %mul3A_11, %add3A_37 : i32
      %add3A_39 = arith.constant 1 : i32
      %add3A_40 = arith.addi %add3A_37, %add3A_39 : i32
      %dma_start3A_41 = arith.constant 0 : i32
      %dma_start3A_42 = tpu.memref_slice %arg7[%add3A_40, %dma_start3A_41] : memref<164x128xi32, #tpu.memory_space<vmem>> -> memref<1x128xi32, #tpu.memory_space<vmem>>
      %dma_start3A_43 = tpu.memref_squeeze %dma_start3A_42 : memref<1x128xi32, #tpu.memory_space<vmem>> -> memref<128xi32, #tpu.memory_space<vmem>>
      %dma_start3A_44 = arith.constant 0 : i32
      %dma_start3A_45 = arith.constant 0 : i32
      %dma_start3A_46 = tpu.memref_slice %arg4[%arg0, %dma_start3A_44, %dma_start3A_45] : memref<2x10000x32xf32, #tpu.memory_space<hbm>> -> memref<1x10000x32xf32, #tpu.memory_space<hbm>>
      %dma_start3A_47 = tpu.memref_squeeze %dma_start3A_46 : memref<1x10000x32xf32, #tpu.memory_space<hbm>> -> memref<10000x32xf32, #tpu.memory_space<hbm>>
      %dma_start3A_48 = arith.constant 0 : i32
      %dma_start3A_49 = arith.constant 0 : i32
      %dma_start3A_50 = tpu.memref_slice %dma_start3A_47[%dma_start3A_48, %dma_start3A_49] : memref<10000x32xf32, #tpu.memory_space<hbm>> -> memref<10000x32xf32, #tpu.memory_space<hbm>>
      tpu.enqueue_indirect_dma source(%dma_start3A_50 : memref<10000x32xf32, #tpu.memory_space<hbm>>) target(%arg11 : memref<128x32xf32, #tpu.memory_space<vmem>>) offsets(%dma_start3A_43 : memref<128xi32, #tpu.memory_space<vmem>>) semaphore(%arg13 : memref<!tpu.dma_semaphore, #tpu.memory_space<semaphore_mem>>)
      %add3A_51 = arith.constant 1 : i32
      %add3A_52 = arith.addi %add3A_38, %add3A_51 : i32
      %dma_start3A_53 = arith.constant 0 : i32
      %dma_start3A_54 = tpu.memref_slice %arg3[%add3A_52, %dma_start3A_53] : memref<2624x128xi32, #tpu.memory_space<hbm>> -> memref<1x128xi32, #tpu.memory_space<hbm>>
      %dma_start3A_55 = tpu.memref_squeeze %dma_start3A_54 : memref<1x128xi32, #tpu.memory_space<hbm>> -> memref<128xi32, #tpu.memory_space<hbm>>
      %dma_start3A_56 = arith.constant 0 : i32
      %dma_start3A_57 = tpu.memref_slice %arg3[%add3A_52, %dma_start3A_56] : memref<2624x128xi32, #tpu.memory_space<hbm>> -> memref<1x128xi32, #tpu.memory_space<hbm>>
      %dma_start3A_58 = tpu.memref_squeeze %dma_start3A_57 : memref<1x128xi32, #tpu.memory_space<hbm>> -> memref<128xi32, #tpu.memory_space<hbm>>
      tpu.enqueue_dma source(%dma_start3A_58 : memref<128xi32, #tpu.memory_space<hbm>>) target(%arg9 : memref<128xi32, #tpu.memory_space<vmem>>) target_semaphore(%arg15 : memref<!tpu.dma_semaphore, #tpu.memory_space<semaphore_mem>>)
      %dma_wait3A = arith.constant 0 : i32
      %dma_wait3A_59 = tpu.memref_slice %arg7[%add3A_37, %dma_wait3A] : memref<164x128xi32, #tpu.memory_space<vmem>> -> memref<1x128xi32, #tpu.memory_space<vmem>>
      %dma_wait3A_60 = tpu.memref_squeeze %dma_wait3A_59 : memref<1x128xi32, #tpu.memory_space<vmem>> -> memref<128xi32, #tpu.memory_space<vmem>>
      %dma_wait3A_61 = arith.constant 0 : i32
      %dma_wait3A_62 = arith.constant 0 : i32
      %dma_wait3A_63 = tpu.memref_slice %arg4[%arg0, %dma_wait3A_61, %dma_wait3A_62] : memref<2x10000x32xf32, #tpu.memory_space<hbm>> -> memref<1x10000x32xf32, #tpu.memory_space<hbm>>
      %dma_wait3A_64 = tpu.memref_squeeze %dma_wait3A_63 : memref<1x10000x32xf32, #tpu.memory_space<hbm>> -> memref<10000x32xf32, #tpu.memory_space<hbm>>
      %dma_wait3A_65 = arith.constant 0 : i32
      %dma_wait3A_66 = arith.constant 0 : i32
      %dma_wait3A_67 = tpu.memref_slice %dma_wait3A_64[%dma_wait3A_65, %dma_wait3A_66] : memref<10000x32xf32, #tpu.memory_space<hbm>> -> memref<10000x32xf32, #tpu.memory_space<hbm>>
      tpu.wait_indirect_dma semaphore(%arg12 : memref<!tpu.dma_semaphore, #tpu.memory_space<semaphore_mem>>) src(%dma_wait3A_67 : memref<10000x32xf32, #tpu.memory_space<hbm>>) dst(%arg10 : memref<128x32xf32, #tpu.memory_space<vmem>>)
      %dma_wait3A_68 = arith.constant 0 : i32
      %dma_wait3A_69 = tpu.memref_slice %arg3[%add3A_38, %dma_wait3A_68] : memref<2624x128xi32, #tpu.memory_space<hbm>> -> memref<1x128xi32, #tpu.memory_space<hbm>>
      %dma_wait3A_70 = tpu.memref_squeeze %dma_wait3A_69 : memref<1x128xi32, #tpu.memory_space<hbm>> -> memref<128xi32, #tpu.memory_space<hbm>>
      %dma_wait3A_71 = arith.constant 0 : i32
      %dma_wait3A_72 = tpu.memref_slice %arg3[%add3A_38, %dma_wait3A_71] : memref<2624x128xi32, #tpu.memory_space<hbm>> -> memref<1x128xi32, #tpu.memory_space<hbm>>
      %dma_wait3A_73 = tpu.memref_squeeze %dma_wait3A_72 : memref<1x128xi32, #tpu.memory_space<hbm>> -> memref<128xi32, #tpu.memory_space<hbm>>
      tpu.wait_dma2 semaphore(%arg14 : memref<!tpu.dma_semaphore, #tpu.memory_space<semaphore_mem>>) src(%dma_wait3A_73 : memref<128xi32, #tpu.memory_space<hbm>>) dst(%arg8 : memref<128xi32, #tpu.memory_space<vmem>>)
      "tpu.region"() ({
        %run_scoped3A = tpu.sem_alloc : memref<!tpu.dma_semaphore, #tpu.memory_space<semaphore_mem>>
        %dma_start3A_98 = arith.constant 0 : i32
        %dma_start3A_99 = arith.constant 0 : i32
        %dma_start3A_100 = tpu.memref_slice %arg6[%dma_start3A_98, %dma_start3A_99] : memref<10240x32xf32, #tpu.memory_space<vmem_shared>> -> memref<10240x32xf32, #tpu.memory_space<vmem_shared>>
        tpu.enqueue_indirect_dma source(%arg10 : memref<128x32xf32, #tpu.memory_space<vmem>>) target(%dma_start3A_100 : memref<10240x32xf32, #tpu.memory_space<vmem_shared>>) offsets(%arg8 : memref<128xi32, #tpu.memory_space<vmem>>) semaphore(%run_scoped3A : memref<!tpu.dma_semaphore, #tpu.memory_space<semaphore_mem>>) {add = true}
        %dma_wait3A_101 = arith.constant 0 : i32
        %dma_wait3A_102 = arith.constant 0 : i32
        %dma_wait3A_103 = tpu.memref_slice %arg6[%dma_wait3A_101, %dma_wait3A_102] : memref<10240x32xf32, #tpu.memory_space<vmem_shared>> -> memref<10240x32xf32, #tpu.memory_space<vmem_shared>>
        tpu.wait_indirect_dma semaphore(%run_scoped3A : memref<!tpu.dma_semaphore, #tpu.memory_space<semaphore_mem>>) src(%arg10 : memref<128x32xf32, #tpu.memory_space<vmem>>) dst(%dma_wait3A_103 : memref<10240x32xf32, #tpu.memory_space<vmem_shared>>)
        tpu.yield
      }) : () -> ()
      %add3A_74 = arith.constant 2 : i32
      %add3A_75 = arith.addi %add3A_37, %add3A_74 : i32
      %lt3A = arith.constant 164 : i32
      %lt3A_76 = arith.cmpi slt, %add3A_75, %lt3A : i32
      %convert_element_type3A = arith.extui %lt3A_76 : i1 to i32
      %cond3A = arith.constant 0 : i32
      %cond3A_77 = arith.cmpi ne, %convert_element_type3A, %cond3A : i32
      scf.if %cond3A_77 {
        %add3A_98 = arith.constant 2 : i32
        %add3A_99 = arith.addi %add3A_37, %add3A_98 : i32
        %dma_start3A_100 = arith.constant 0 : i32
        %dma_start3A_101 = tpu.memref_slice %arg7[%add3A_99, %dma_start3A_100] : memref<164x128xi32, #tpu.memory_space<vmem>> -> memref<1x128xi32, #tpu.memory_space<vmem>>
        %dma_start3A_102 = tpu.memref_squeeze %dma_start3A_101 : memref<1x128xi32, #tpu.memory_space<vmem>> -> memref<128xi32, #tpu.memory_space<vmem>>
        %dma_start3A_103 = arith.constant 0 : i32
        %dma_start3A_104 = arith.constant 0 : i32
        %dma_start3A_105 = tpu.memref_slice %arg4[%arg0, %dma_start3A_103, %dma_start3A_104] : memref<2x10000x32xf32, #tpu.memory_space<hbm>> -> memref<1x10000x32xf32, #tpu.memory_space<hbm>>
        %dma_start3A_106 = tpu.memref_squeeze %dma_start3A_105 : memref<1x10000x32xf32, #tpu.memory_space<hbm>> -> memref<10000x32xf32, #tpu.memory_space<hbm>>
        %dma_start3A_107 = arith.constant 0 : i32
        %dma_start3A_108 = arith.constant 0 : i32
        %dma_start3A_109 = tpu.memref_slice %dma_start3A_106[%dma_start3A_107, %dma_start3A_108] : memref<10000x32xf32, #tpu.memory_space<hbm>> -> memref<10000x32xf32, #tpu.memory_space<hbm>>
        tpu.enqueue_indirect_dma source(%dma_start3A_109 : memref<10000x32xf32, #tpu.memory_space<hbm>>) target(%arg10 : memref<128x32xf32, #tpu.memory_space<vmem>>) offsets(%dma_start3A_102 : memref<128xi32, #tpu.memory_space<vmem>>) semaphore(%arg12 : memref<!tpu.dma_semaphore, #tpu.memory_space<semaphore_mem>>)
        %add3A_110 = arith.constant 2 : i32
        %add3A_111 = arith.addi %add3A_38, %add3A_110 : i32
        %dma_start3A_112 = arith.constant 0 : i32
        %dma_start3A_113 = tpu.memref_slice %arg3[%add3A_111, %dma_start3A_112] : memref<2624x128xi32, #tpu.memory_space<hbm>> -> memref<1x128xi32, #tpu.memory_space<hbm>>
        %dma_start3A_114 = tpu.memref_squeeze %dma_start3A_113 : memref<1x128xi32, #tpu.memory_space<hbm>> -> memref<128xi32, #tpu.memory_space<hbm>>
        %dma_start3A_115 = arith.constant 0 : i32
        %dma_start3A_116 = tpu.memref_slice %arg3[%add3A_111, %dma_start3A_115] : memref<2624x128xi32, #tpu.memory_space<hbm>> -> memref<1x128xi32, #tpu.memory_space<hbm>>
        %dma_start3A_117 = tpu.memref_squeeze %dma_start3A_116 : memref<1x128xi32, #tpu.memory_space<hbm>> -> memref<128xi32, #tpu.memory_space<hbm>>
        tpu.enqueue_dma source(%dma_start3A_117 : memref<128xi32, #tpu.memory_space<hbm>>) target(%arg8 : memref<128xi32, #tpu.memory_space<vmem>>) target_semaphore(%arg14 : memref<!tpu.dma_semaphore, #tpu.memory_space<semaphore_mem>>)
      } else {
      }
      %add3A_78 = arith.constant 1 : i32
      %add3A_79 = arith.addi %add3A_37, %add3A_78 : i32
      %dma_wait3A_80 = arith.constant 0 : i32
      %dma_wait3A_81 = tpu.memref_slice %arg7[%add3A_79, %dma_wait3A_80] : memref<164x128xi32, #tpu.memory_space<vmem>> -> memref<1x128xi32, #tpu.memory_space<vmem>>
      %dma_wait3A_82 = tpu.memref_squeeze %dma_wait3A_81 : memref<1x128xi32, #tpu.memory_space<vmem>> -> memref<128xi32, #tpu.memory_space<vmem>>
      %dma_wait3A_83 = arith.constant 0 : i32
      %dma_wait3A_84 = arith.constant 0 : i32
      %dma_wait3A_85 = tpu.memref_slice %arg4[%arg0, %dma_wait3A_83, %dma_wait3A_84] : memref<2x10000x32xf32, #tpu.memory_space<hbm>> -> memref<1x10000x32xf32, #tpu.memory_space<hbm>>
      %dma_wait3A_86 = tpu.memref_squeeze %dma_wait3A_85 : memref<1x10000x32xf32, #tpu.memory_space<hbm>> -> memref<10000x32xf32, #tpu.memory_space<hbm>>
      %dma_wait3A_87 = arith.constant 0 : i32
      %dma_wait3A_88 = arith.constant 0 : i32
      %dma_wait3A_89 = tpu.memref_slice %dma_wait3A_86[%dma_wait3A_87, %dma_wait3A_88] : memref<10000x32xf32, #tpu.memory_space<hbm>> -> memref<10000x32xf32, #tpu.memory_space<hbm>>
      tpu.wait_indirect_dma semaphore(%arg13 : memref<!tpu.dma_semaphore, #tpu.memory_space<semaphore_mem>>) src(%dma_wait3A_89 : memref<10000x32xf32, #tpu.memory_space<hbm>>) dst(%arg11 : memref<128x32xf32, #tpu.memory_space<vmem>>)
      %add3A_90 = arith.constant 1 : i32
      %add3A_91 = arith.addi %add3A_38, %add3A_90 : i32
      %dma_wait3A_92 = arith.constant 0 : i32
      %dma_wait3A_93 = tpu.memref_slice %arg3[%add3A_91, %dma_wait3A_92] : memref<2624x128xi32, #tpu.memory_space<hbm>> -> memref<1x128xi32, #tpu.memory_space<hbm>>
      %dma_wait3A_94 = tpu.memref_squeeze %dma_wait3A_93 : memref<1x128xi32, #tpu.memory_space<hbm>> -> memref<128xi32, #tpu.memory_space<hbm>>
      %dma_wait3A_95 = arith.constant 0 : i32
      %dma_wait3A_96 = tpu.memref_slice %arg3[%add3A_91, %dma_wait3A_95] : memref<2624x128xi32, #tpu.memory_space<hbm>> -> memref<1x128xi32, #tpu.memory_space<hbm>>
      %dma_wait3A_97 = tpu.memref_squeeze %dma_wait3A_96 : memref<1x128xi32, #tpu.memory_space<hbm>> -> memref<128xi32, #tpu.memory_space<hbm>>
      tpu.wait_dma2 semaphore(%arg15 : memref<!tpu.dma_semaphore, #tpu.memory_space<semaphore_mem>>) src(%dma_wait3A_97 : memref<128xi32, #tpu.memory_space<hbm>>) dst(%arg9 : memref<128xi32, #tpu.memory_space<vmem>>)
      "tpu.region"() ({
        %run_scoped3A = tpu.sem_alloc : memref<!tpu.dma_semaphore, #tpu.memory_space<semaphore_mem>>
        %dma_start3A_98 = arith.constant 0 : i32
        %dma_start3A_99 = arith.constant 0 : i32
        %dma_start3A_100 = tpu.memref_slice %arg6[%dma_start3A_98, %dma_start3A_99] : memref<10240x32xf32, #tpu.memory_space<vmem_shared>> -> memref<10240x32xf32, #tpu.memory_space<vmem_shared>>
        tpu.enqueue_indirect_dma source(%arg11 : memref<128x32xf32, #tpu.memory_space<vmem>>) target(%dma_start3A_100 : memref<10240x32xf32, #tpu.memory_space<vmem_shared>>) offsets(%arg9 : memref<128xi32, #tpu.memory_space<vmem>>) semaphore(%run_scoped3A : memref<!tpu.dma_semaphore, #tpu.memory_space<semaphore_mem>>) {add = true}
        %dma_wait3A_101 = arith.constant 0 : i32
        %dma_wait3A_102 = arith.constant 0 : i32
        %dma_wait3A_103 = tpu.memref_slice %arg6[%dma_wait3A_101, %dma_wait3A_102] : memref<10240x32xf32, #tpu.memory_space<vmem_shared>> -> memref<10240x32xf32, #tpu.memory_space<vmem_shared>>
        tpu.wait_indirect_dma semaphore(%run_scoped3A : memref<!tpu.dma_semaphore, #tpu.memory_space<semaphore_mem>>) src(%arg11 : memref<128x32xf32, #tpu.memory_space<vmem>>) dst(%dma_wait3A_103 : memref<10240x32xf32, #tpu.memory_space<vmem_shared>>)
        tpu.yield
      }) : () -> ()
    }
    %scan3A_32 = arith.constant 82 : i32
    %barrier3A_33 = arith.constant 0 : index
    tpu.barrier barrier_id(%barrier3A_33)
    "tpu.region"() ({
      %run_scoped3A = tpu.sem_alloc : memref<!tpu.dma_semaphore, #tpu.memory_space<semaphore_mem>>
      %dma_start3A_34 = arith.constant 0 : i32
      %dma_start3A_35 = tpu.memref_slice %arg5[%arg0, %mul3A_4, %dma_start3A_34] : memref<2x10240x32xf32, #tpu.memory_space<hbm>> -> memref<1x640x32xf32, #tpu.memory_space<hbm>>
      %dma_start3A_36 = tpu.memref_squeeze %dma_start3A_35 : memref<1x640x32xf32, #tpu.memory_space<hbm>> -> memref<640x32xf32, #tpu.memory_space<hbm>>
      %dma_start3A_37 = arith.constant 0 : i32
      %dma_start3A_38 = tpu.memref_slice %arg6[%mul3A_4, %dma_start3A_37] : memref<10240x32xf32, #tpu.memory_space<vmem_shared>> -> memref<640x32xf32, #tpu.memory_space<vmem_shared>>
      tpu.enqueue_dma source(%dma_start3A_38 : memref<640x32xf32, #tpu.memory_space<vmem_shared>>) target(%dma_start3A_36 : memref<640x32xf32, #tpu.memory_space<hbm>>) target_semaphore(%run_scoped3A : memref<!tpu.dma_semaphore, #tpu.memory_space<semaphore_mem>>)
      %dma_wait3A = arith.constant 0 : i32
      %dma_wait3A_39 = tpu.memref_slice %arg5[%arg0, %mul3A_4, %dma_wait3A] : memref<2x10240x32xf32, #tpu.memory_space<hbm>> -> memref<1x640x32xf32, #tpu.memory_space<hbm>>
      %dma_wait3A_40 = tpu.memref_squeeze %dma_wait3A_39 : memref<1x640x32xf32, #tpu.memory_space<hbm>> -> memref<640x32xf32, #tpu.memory_space<hbm>>
      %dma_wait3A_41 = arith.constant 0 : i32
      %dma_wait3A_42 = tpu.memref_slice %arg6[%mul3A_4, %dma_wait3A_41] : memref<10240x32xf32, #tpu.memory_space<vmem_shared>> -> memref<640x32xf32, #tpu.memory_space<vmem_shared>>
      tpu.wait_dma2 semaphore(%run_scoped3A : memref<!tpu.dma_semaphore, #tpu.memory_space<semaphore_mem>>) src(%dma_wait3A_42 : memref<640x32xf32, #tpu.memory_space<vmem_shared>>) dst(%dma_wait3A_40 : memref<640x32xf32, #tpu.memory_space<hbm>>)
      tpu.yield
    }) : () -> ()
    return
  }
}

#map = affine_map<(d0, d1) -> (0, 0)>
module attributes {stable_mosaic.version = 14 : i64} {
  func.func @deg_kernel(%arg0: i32, %arg1: i32, %arg2: memref<2624x128xi32, #tpu.memory_space<hbm>>, %arg3: memref<2x10240xf32, #tpu.memory_space<hbm>>, %arg4: memref<10240xf32, #tpu.memory_space<vmem_shared>>, %arg5: memref<82x128xi32, #tpu.memory_space<vmem>>, %arg6: memref<128xf32, #tpu.memory_space<vmem>>, %arg7: memref<640xf32, #tpu.memory_space<vmem>>) attributes {dimension_semantics = [#tpu.dimension_semantics<core_parallel>, #tpu.dimension_semantics<subcore_parallel>], iteration_bounds = array<i64: 2, 16>, scalar_prefetch = 0 : i64, scratch_operands = 4 : i64, tpu.core_type = #tpu.core_type<sc_vector_subcore>, window_params = [{transform_indices = #map}, {transform_indices = #map}]} {
    %mul3A = arith.constant 16 : i32
    %mul3A_0 = arith.muli %arg0, %mul3A : i32
    %add3A = arith.addi %mul3A_0, %arg1 : i32
    %scan3A = arith.constant 0 : i32
    %scan3A_1 = arith.constant 40 : i32
    %scan3A_2 = arith.addi %scan3A, %scan3A_1 : i32
    %scan3A_3 = arith.constant 1 : i32
    scf.for %scan3A_20 = %scan3A to %scan3A_2 step %scan3A_3  : i32 {
      %mul3A_21 = arith.constant 16 : i32
      %mul3A_22 = arith.muli %scan3A_20, %mul3A_21 : i32
      %add3A_23 = arith.constant 0 : i32
      %add3A_24 = arith.addi %add3A_23, %mul3A_22 : i32
      %broadcast_in_dim3A = arith.constant 0.000000e+00 : f32
      %broadcast_in_dim3A_25 = vector.broadcast %broadcast_in_dim3A : f32 to vector<16xf32>
      %swap3A = arith.index_cast %add3A_24 : i32 to index
      %swap3A_26 = tpu.vector_load %arg7[%swap3A] {strides = array<i32>} : memref<640xf32, #tpu.memory_space<vmem>>, vector<16xf32>,
      %swap3A_27 = vector.shape_cast %swap3A_26 : vector<16xf32> to vector<16xf32>
      %swap3A_28 = vector.shape_cast %broadcast_in_dim3A_25 : vector<16xf32> to vector<16xf32>
      tpu.vector_store %arg7[%swap3A], %swap3A_28 {strides = array<i32>} : memref<640xf32, #tpu.memory_space<vmem>>, vector<16xf32>,
    }
    %scan3A_4 = arith.constant 40 : i32
    %scan3A_5 = arith.constant 0 : i32
    %scan3A_6 = arith.constant 8 : i32
    %scan3A_7 = arith.addi %scan3A_5, %scan3A_6 : i32
    %scan3A_8 = arith.constant 1 : i32
    scf.for %scan3A_20 = %scan3A_5 to %scan3A_7 step %scan3A_8  : i32 {
      %mul3A_21 = arith.constant 16 : i32
      %mul3A_22 = arith.muli %scan3A_20, %mul3A_21 : i32
      %add3A_23 = arith.constant 0 : i32
      %add3A_24 = arith.addi %add3A_23, %mul3A_22 : i32
      %broadcast_in_dim3A = arith.constant 1.000000e+00 : f32
      %broadcast_in_dim3A_25 = vector.broadcast %broadcast_in_dim3A : f32 to vector<16xf32>
      %swap3A = arith.index_cast %add3A_24 : i32 to index
      %swap3A_26 = tpu.vector_load %arg6[%swap3A] {strides = array<i32>} : memref<128xf32, #tpu.memory_space<vmem>>, vector<16xf32>,
      %swap3A_27 = vector.shape_cast %swap3A_26 : vector<16xf32> to vector<16xf32>
      %swap3A_28 = vector.shape_cast %broadcast_in_dim3A_25 : vector<16xf32> to vector<16xf32>
      tpu.vector_store %arg6[%swap3A], %swap3A_28 {strides = array<i32>} : memref<128xf32, #tpu.memory_space<vmem>>, vector<16xf32>,
    }
    %scan3A_9 = arith.constant 8 : i32
    %mul3A_10 = arith.constant 640 : i32
    %mul3A_11 = arith.muli %arg1, %mul3A_10 : i32
    "tpu.region"() ({
      %run_scoped3A = tpu.sem_alloc : memref<!tpu.dma_semaphore, #tpu.memory_space<semaphore_mem>>
      %dma_start3A = tpu.memref_slice %arg4[%mul3A_11] : memref<10240xf32, #tpu.memory_space<vmem_shared>> -> memref<640xf32, #tpu.memory_space<vmem_shared>>
      %dma_start3A_20 = tpu.memref_slice %arg4[%mul3A_11] : memref<10240xf32, #tpu.memory_space<vmem_shared>> -> memref<640xf32, #tpu.memory_space<vmem_shared>>
      tpu.enqueue_dma source(%arg7 : memref<640xf32, #tpu.memory_space<vmem>>) target(%dma_start3A_20 : memref<640xf32, #tpu.memory_space<vmem_shared>>) target_semaphore(%run_scoped3A : memref<!tpu.dma_semaphore, #tpu.memory_space<semaphore_mem>>)
      %dma_wait3A = tpu.memref_slice %arg4[%mul3A_11] : memref<10240xf32, #tpu.memory_space<vmem_shared>> -> memref<640xf32, #tpu.memory_space<vmem_shared>>
      %dma_wait3A_21 = tpu.memref_slice %arg4[%mul3A_11] : memref<10240xf32, #tpu.memory_space<vmem_shared>> -> memref<640xf32, #tpu.memory_space<vmem_shared>>
      tpu.wait_dma2 semaphore(%run_scoped3A : memref<!tpu.dma_semaphore, #tpu.memory_space<semaphore_mem>>) src(%arg7 : memref<640xf32, #tpu.memory_space<vmem>>) dst(%dma_wait3A_21 : memref<640xf32, #tpu.memory_space<vmem_shared>>)
      tpu.yield
    }) : () -> ()
    %mul3A_12 = arith.constant 82 : i32
    %mul3A_13 = arith.muli %add3A, %mul3A_12 : i32
    "tpu.region"() ({
      %run_scoped3A = tpu.sem_alloc : memref<!tpu.dma_semaphore, #tpu.memory_space<semaphore_mem>>
      %dma_start3A = arith.constant 0 : i32
      %dma_start3A_20 = tpu.memref_slice %arg2[%mul3A_13, %dma_start3A] : memref<2624x128xi32, #tpu.memory_space<hbm>> -> memref<82x128xi32, #tpu.memory_space<hbm>>
      %dma_start3A_21 = arith.constant 0 : i32
      %dma_start3A_22 = tpu.memref_slice %arg2[%mul3A_13, %dma_start3A_21] : memref<2624x128xi32, #tpu.memory_space<hbm>> -> memref<82x128xi32, #tpu.memory_space<hbm>>
      tpu.enqueue_dma source(%dma_start3A_22 : memref<82x128xi32, #tpu.memory_space<hbm>>) target(%arg5 : memref<82x128xi32, #tpu.memory_space<vmem>>) target_semaphore(%run_scoped3A : memref<!tpu.dma_semaphore, #tpu.memory_space<semaphore_mem>>)
      %dma_wait3A = arith.constant 0 : i32
      %dma_wait3A_23 = tpu.memref_slice %arg2[%mul3A_13, %dma_wait3A] : memref<2624x128xi32, #tpu.memory_space<hbm>> -> memref<82x128xi32, #tpu.memory_space<hbm>>
      %dma_wait3A_24 = arith.constant 0 : i32
      %dma_wait3A_25 = tpu.memref_slice %arg2[%mul3A_13, %dma_wait3A_24] : memref<2624x128xi32, #tpu.memory_space<hbm>> -> memref<82x128xi32, #tpu.memory_space<hbm>>
      tpu.wait_dma2 semaphore(%run_scoped3A : memref<!tpu.dma_semaphore, #tpu.memory_space<semaphore_mem>>) src(%dma_wait3A_25 : memref<82x128xi32, #tpu.memory_space<hbm>>) dst(%arg5 : memref<82x128xi32, #tpu.memory_space<vmem>>)
      tpu.yield
    }) : () -> ()
    %barrier3A = arith.constant 0 : index
    tpu.barrier barrier_id(%barrier3A)
    %scan3A_14 = arith.constant 0 : i32
    %scan3A_15 = arith.constant 82 : i32
    %scan3A_16 = arith.addi %scan3A_14, %scan3A_15 : i32
    %scan3A_17 = arith.constant 1 : i32
    scf.for %scan3A_20 = %scan3A_14 to %scan3A_16 step %scan3A_17  : i32 {
      %mul3A_21 = arith.constant 1 : i32
      %mul3A_22 = arith.muli %scan3A_20, %mul3A_21 : i32
      %add3A_23 = arith.constant 0 : i32
      %add3A_24 = arith.addi %add3A_23, %mul3A_22 : i32
      "tpu.region"() ({
        %run_scoped3A = tpu.sem_alloc : memref<!tpu.dma_semaphore, #tpu.memory_space<semaphore_mem>>
        %dma_start3A = arith.constant 0 : i32
        %dma_start3A_25 = tpu.memref_slice %arg5[%add3A_24, %dma_start3A] : memref<82x128xi32, #tpu.memory_space<vmem>> -> memref<1x128xi32, #tpu.memory_space<vmem>>
        %dma_start3A_26 = tpu.memref_squeeze %dma_start3A_25 : memref<1x128xi32, #tpu.memory_space<vmem>> -> memref<128xi32, #tpu.memory_space<vmem>>
        %dma_start3A_27 = arith.constant 0 : i32
        %dma_start3A_28 = tpu.memref_slice %arg4[%dma_start3A_27] : memref<10240xf32, #tpu.memory_space<vmem_shared>> -> memref<10240xf32, #tpu.memory_space<vmem_shared>>
        tpu.enqueue_indirect_dma source(%arg6 : memref<128xf32, #tpu.memory_space<vmem>>) target(%dma_start3A_28 : memref<10240xf32, #tpu.memory_space<vmem_shared>>) offsets(%dma_start3A_26 : memref<128xi32, #tpu.memory_space<vmem>>) semaphore(%run_scoped3A : memref<!tpu.dma_semaphore, #tpu.memory_space<semaphore_mem>>) {add = true}
        %dma_wait3A = arith.constant 0 : i32
        %dma_wait3A_29 = tpu.memref_slice %arg5[%add3A_24, %dma_wait3A] : memref<82x128xi32, #tpu.memory_space<vmem>> -> memref<1x128xi32, #tpu.memory_space<vmem>>
        %dma_wait3A_30 = tpu.memref_squeeze %dma_wait3A_29 : memref<1x128xi32, #tpu.memory_space<vmem>> -> memref<128xi32, #tpu.memory_space<vmem>>
        %dma_wait3A_31 = arith.constant 0 : i32
        %dma_wait3A_32 = tpu.memref_slice %arg4[%dma_wait3A_31] : memref<10240xf32, #tpu.memory_space<vmem_shared>> -> memref<10240xf32, #tpu.memory_space<vmem_shared>>
        tpu.wait_indirect_dma semaphore(%run_scoped3A : memref<!tpu.dma_semaphore, #tpu.memory_space<semaphore_mem>>) src(%arg6 : memref<128xf32, #tpu.memory_space<vmem>>) dst(%dma_wait3A_32 : memref<10240xf32, #tpu.memory_space<vmem_shared>>)
        tpu.yield
      }) : () -> ()
    }
    %scan3A_18 = arith.constant 82 : i32
    %barrier3A_19 = arith.constant 0 : index
    tpu.barrier barrier_id(%barrier3A_19)
    "tpu.region"() ({
      %run_scoped3A = tpu.sem_alloc : memref<!tpu.dma_semaphore, #tpu.memory_space<semaphore_mem>>
      %dma_start3A = tpu.memref_slice %arg3[%arg0, %mul3A_11] : memref<2x10240xf32, #tpu.memory_space<hbm>> -> memref<1x640xf32, #tpu.memory_space<hbm>>
      %dma_start3A_20 = tpu.memref_squeeze %dma_start3A : memref<1x640xf32, #tpu.memory_space<hbm>> -> memref<640xf32, #tpu.memory_space<hbm>>
      %dma_start3A_21 = tpu.memref_slice %arg4[%mul3A_11] : memref<10240xf32, #tpu.memory_space<vmem_shared>> -> memref<640xf32, #tpu.memory_space<vmem_shared>>
      tpu.enqueue_dma source(%dma_start3A_21 : memref<640xf32, #tpu.memory_space<vmem_shared>>) target(%dma_start3A_20 : memref<640xf32, #tpu.memory_space<hbm>>) target_semaphore(%run_scoped3A : memref<!tpu.dma_semaphore, #tpu.memory_space<semaphore_mem>>)
      %dma_wait3A = tpu.memref_slice %arg3[%arg0, %mul3A_11] : memref<2x10240xf32, #tpu.memory_space<hbm>> -> memref<1x640xf32, #tpu.memory_space<hbm>>
      %dma_wait3A_22 = tpu.memref_squeeze %dma_wait3A : memref<1x640xf32, #tpu.memory_space<hbm>> -> memref<640xf32, #tpu.memory_space<hbm>>
      %dma_wait3A_23 = tpu.memref_slice %arg4[%mul3A_11] : memref<10240xf32, #tpu.memory_space<vmem_shared>> -> memref<640xf32, #tpu.memory_space<vmem_shared>>
      tpu.wait_dma2 semaphore(%run_scoped3A : memref<!tpu.dma_semaphore, #tpu.memory_space<semaphore_mem>>) src(%dma_wait3A_23 : memref<640xf32, #tpu.memory_space<vmem_shared>>) dst(%dma_wait3A_22 : memref<640xf32, #tpu.memory_space<hbm>>)
      tpu.yield
    }) : () -> ()
    return
  }
}

#map = affine_map<(d0, d1) -> (0, 0)>
#map1 = affine_map<(d0, d1) -> (0, 0, 0)>
module attributes {stable_mosaic.version = 14 : i64} {
  func.func @agg_kernel(%arg0: i32, %arg1: i32, %arg2: memref<2624x128xi32, #tpu.memory_space<hbm>>, %arg3: memref<2624x128xi32, #tpu.memory_space<hbm>>, %arg4: memref<2x10000x64xf32, #tpu.memory_space<hbm>>, %arg5: memref<2x10240x64xf32, #tpu.memory_space<hbm>>, %arg6: memref<10240x64xf32, #tpu.memory_space<vmem_shared>>, %arg7: memref<164x128xi32, #tpu.memory_space<vmem>>, %arg8: memref<128xi32, #tpu.memory_space<vmem>>, %arg9: memref<128xi32, #tpu.memory_space<vmem>>, %arg10: memref<128x64xf32, #tpu.memory_space<vmem>>, %arg11: memref<128x64xf32, #tpu.memory_space<vmem>>, %arg12: memref<!tpu.dma_semaphore, #tpu.memory_space<semaphore_mem>>, %arg13: memref<!tpu.dma_semaphore, #tpu.memory_space<semaphore_mem>>, %arg14: memref<!tpu.dma_semaphore, #tpu.memory_space<semaphore_mem>>, %arg15: memref<!tpu.dma_semaphore, #tpu.memory_space<semaphore_mem>>) attributes {dimension_semantics = [#tpu.dimension_semantics<core_parallel>, #tpu.dimension_semantics<subcore_parallel>], iteration_bounds = array<i64: 2, 16>, scalar_prefetch = 0 : i64, scratch_operands = 10 : i64, tpu.core_type = #tpu.core_type<sc_vector_subcore>, window_params = [{transform_indices = #map}, {transform_indices = #map}, {transform_indices = #map1}, {transform_indices = #map1}]} {
    %scan3A = arith.constant 0 : i32
    %scan3A_0 = arith.constant 128 : i32
    %scan3A_1 = arith.addi %scan3A, %scan3A_0 : i32
    %scan3A_2 = arith.constant 1 : i32
    scf.for %scan3A_34 = %scan3A to %scan3A_1 step %scan3A_2  : i32 {
      %mul3A_35 = arith.constant 1 : i32
      %mul3A_36 = arith.muli %scan3A_34, %mul3A_35 : i32
      %add3A = arith.constant 0 : i32
      %add3A_37 = arith.addi %add3A, %mul3A_36 : i32
      %broadcast_in_dim3A = arith.constant 0.000000e+00 : f32
      %broadcast_in_dim3A_38 = vector.broadcast %broadcast_in_dim3A : f32 to vector<16xf32>
      %swap3A = arith.index_cast %add3A_37 : i32 to index
      %swap3A_39 = arith.constant 0 : index
      %swap3A_40 = tpu.vector_load %arg10[%swap3A, %swap3A_39] {strides = array<i32>} : memref<128x64xf32, #tpu.memory_space<vmem>>, vector<1x16xf32>,
      %swap3A_41 = vector.shape_cast %swap3A_40 : vector<1x16xf32> to vector<16xf32>
      %swap3A_42 = vector.shape_cast %broadcast_in_dim3A_38 : vector<16xf32> to vector<1x16xf32>
      tpu.vector_store %arg10[%swap3A, %swap3A_39], %swap3A_42 {strides = array<i32>} : memref<128x64xf32, #tpu.memory_space<vmem>>, vector<1x16xf32>,
      %broadcast_in_dim3A_43 = arith.constant 0.000000e+00 : f32
      %broadcast_in_dim3A_44 = vector.broadcast %broadcast_in_dim3A_43 : f32 to vector<16xf32>
      %swap3A_45 = arith.index_cast %add3A_37 : i32 to index
      %swap3A_46 = arith.constant 16 : index
      %swap3A_47 = tpu.vector_load %arg10[%swap3A_45, %swap3A_46] {strides = array<i32>} : memref<128x64xf32, #tpu.memory_space<vmem>>, vector<1x16xf32>,
      %swap3A_48 = vector.shape_cast %swap3A_47 : vector<1x16xf32> to vector<16xf32>
      %swap3A_49 = vector.shape_cast %broadcast_in_dim3A_44 : vector<16xf32> to vector<1x16xf32>
      tpu.vector_store %arg10[%swap3A_45, %swap3A_46], %swap3A_49 {strides = array<i32>} : memref<128x64xf32, #tpu.memory_space<vmem>>, vector<1x16xf32>,
      %broadcast_in_dim3A_50 = arith.constant 0.000000e+00 : f32
      %broadcast_in_dim3A_51 = vector.broadcast %broadcast_in_dim3A_50 : f32 to vector<16xf32>
      %swap3A_52 = arith.index_cast %add3A_37 : i32 to index
      %swap3A_53 = arith.constant 32 : index
      %swap3A_54 = tpu.vector_load %arg10[%swap3A_52, %swap3A_53] {strides = array<i32>} : memref<128x64xf32, #tpu.memory_space<vmem>>, vector<1x16xf32>,
      %swap3A_55 = vector.shape_cast %swap3A_54 : vector<1x16xf32> to vector<16xf32>
      %swap3A_56 = vector.shape_cast %broadcast_in_dim3A_51 : vector<16xf32> to vector<1x16xf32>
      tpu.vector_store %arg10[%swap3A_52, %swap3A_53], %swap3A_56 {strides = array<i32>} : memref<128x64xf32, #tpu.memory_space<vmem>>, vector<1x16xf32>,
      %broadcast_in_dim3A_57 = arith.constant 0.000000e+00 : f32
      %broadcast_in_dim3A_58 = vector.broadcast %broadcast_in_dim3A_57 : f32 to vector<16xf32>
      %swap3A_59 = arith.index_cast %add3A_37 : i32 to index
      %swap3A_60 = arith.constant 48 : index
      %swap3A_61 = tpu.vector_load %arg10[%swap3A_59, %swap3A_60] {strides = array<i32>} : memref<128x64xf32, #tpu.memory_space<vmem>>, vector<1x16xf32>,
      %swap3A_62 = vector.shape_cast %swap3A_61 : vector<1x16xf32> to vector<16xf32>
      %swap3A_63 = vector.shape_cast %broadcast_in_dim3A_58 : vector<16xf32> to vector<1x16xf32>
      tpu.vector_store %arg10[%swap3A_59, %swap3A_60], %swap3A_63 {strides = array<i32>} : memref<128x64xf32, #tpu.memory_space<vmem>>, vector<1x16xf32>,
    }
    %scan3A_3 = arith.constant 128 : i32
    %mul3A = arith.constant 640 : i32
    %mul3A_4 = arith.muli %arg1, %mul3A : i32
    %scan3A_5 = arith.constant 0 : i32
    %scan3A_6 = arith.constant 5 : i32
    %scan3A_7 = arith.addi %scan3A_5, %scan3A_6 : i32
    %scan3A_8 = arith.constant 1 : i32
    scf.for %scan3A_34 = %scan3A_5 to %scan3A_7 step %scan3A_8  : i32 {
      %mul3A_35 = arith.constant 128 : i32
      %mul3A_36 = arith.muli %scan3A_34, %mul3A_35 : i32
      %add3A = arith.constant 0 : i32
      %add3A_37 = arith.addi %add3A, %mul3A_36 : i32
      %add3A_38 = arith.addi %mul3A_4, %add3A_37 : i32
      "tpu.region"() ({
        %run_scoped3A = tpu.sem_alloc : memref<!tpu.dma_semaphore, #tpu.memory_space<semaphore_mem>>
        %dma_start3A_39 = arith.constant 0 : i32
        %dma_start3A_40 = tpu.memref_slice %arg6[%add3A_38, %dma_start3A_39] : memref<10240x64xf32, #tpu.memory_space<vmem_shared>> -> memref<128x64xf32, #tpu.memory_space<vmem_shared>>
        %dma_start3A_41 = arith.constant 0 : i32
        %dma_start3A_42 = tpu.memref_slice %arg6[%add3A_38, %dma_start3A_41] : memref<10240x64xf32, #tpu.memory_space<vmem_shared>> -> memref<128x64xf32, #tpu.memory_space<vmem_shared>>
        tpu.enqueue_dma source(%arg10 : memref<128x64xf32, #tpu.memory_space<vmem>>) target(%dma_start3A_42 : memref<128x64xf32, #tpu.memory_space<vmem_shared>>) target_semaphore(%run_scoped3A : memref<!tpu.dma_semaphore, #tpu.memory_space<semaphore_mem>>)
        %dma_wait3A = arith.constant 0 : i32
        %dma_wait3A_43 = tpu.memref_slice %arg6[%add3A_38, %dma_wait3A] : memref<10240x64xf32, #tpu.memory_space<vmem_shared>> -> memref<128x64xf32, #tpu.memory_space<vmem_shared>>
        %dma_wait3A_44 = arith.constant 0 : i32
        %dma_wait3A_45 = tpu.memref_slice %arg6[%add3A_38, %dma_wait3A_44] : memref<10240x64xf32, #tpu.memory_space<vmem_shared>> -> memref<128x64xf32, #tpu.memory_space<vmem_shared>>
        tpu.wait_dma2 semaphore(%run_scoped3A : memref<!tpu.dma_semaphore, #tpu.memory_space<semaphore_mem>>) src(%arg10 : memref<128x64xf32, #tpu.memory_space<vmem>>) dst(%dma_wait3A_45 : memref<128x64xf32, #tpu.memory_space<vmem_shared>>)
        tpu.yield
      }) : () -> ()
    }
    %scan3A_9 = arith.constant 5 : i32
    %mul3A_10 = arith.constant 164 : i32
    %mul3A_11 = arith.muli %arg1, %mul3A_10 : i32
    "tpu.region"() ({
      %run_scoped3A = tpu.sem_alloc : memref<!tpu.dma_semaphore, #tpu.memory_space<semaphore_mem>>
      %dma_start3A_34 = arith.constant 0 : i32
      %dma_start3A_35 = tpu.memref_slice %arg2[%mul3A_11, %dma_start3A_34] : memref<2624x128xi32, #tpu.memory_space<hbm>> -> memref<164x128xi32, #tpu.memory_space<hbm>>
      %dma_start3A_36 = arith.constant 0 : i32
      %dma_start3A_37 = tpu.memref_slice %arg2[%mul3A_11, %dma_start3A_36] : memref<2624x128xi32, #tpu.memory_space<hbm>> -> memref<164x128xi32, #tpu.memory_space<hbm>>
      tpu.enqueue_dma source(%dma_start3A_37 : memref<164x128xi32, #tpu.memory_space<hbm>>) target(%arg7 : memref<164x128xi32, #tpu.memory_space<vmem>>) target_semaphore(%run_scoped3A : memref<!tpu.dma_semaphore, #tpu.memory_space<semaphore_mem>>)
      %dma_wait3A = arith.constant 0 : i32
      %dma_wait3A_38 = tpu.memref_slice %arg2[%mul3A_11, %dma_wait3A] : memref<2624x128xi32, #tpu.memory_space<hbm>> -> memref<164x128xi32, #tpu.memory_space<hbm>>
      %dma_wait3A_39 = arith.constant 0 : i32
      %dma_wait3A_40 = tpu.memref_slice %arg2[%mul3A_11, %dma_wait3A_39] : memref<2624x128xi32, #tpu.memory_space<hbm>> -> memref<164x128xi32, #tpu.memory_space<hbm>>
      tpu.wait_dma2 semaphore(%run_scoped3A : memref<!tpu.dma_semaphore, #tpu.memory_space<semaphore_mem>>) src(%dma_wait3A_40 : memref<164x128xi32, #tpu.memory_space<hbm>>) dst(%arg7 : memref<164x128xi32, #tpu.memory_space<vmem>>)
      tpu.yield
    }) : () -> ()
    %barrier3A = arith.constant 0 : index
    tpu.barrier barrier_id(%barrier3A)
    %dma_start3A = arith.constant 0 : i32
    %dma_start3A_12 = arith.constant 0 : i32
    %dma_start3A_13 = tpu.memref_slice %arg7[%dma_start3A, %dma_start3A_12] : memref<164x128xi32, #tpu.memory_space<vmem>> -> memref<1x128xi32, #tpu.memory_space<vmem>>
    %dma_start3A_14 = tpu.memref_squeeze %dma_start3A_13 : memref<1x128xi32, #tpu.memory_space<vmem>> -> memref<128xi32, #tpu.memory_space<vmem>>
    %dma_start3A_15 = arith.constant 0 : i32
    %dma_start3A_16 = arith.constant 0 : i32
    %dma_start3A_17 = tpu.memref_slice %arg4[%arg0, %dma_start3A_15, %dma_start3A_16] : memref<2x10000x64xf32, #tpu.memory_space<hbm>> -> memref<1x10000x64xf32, #tpu.memory_space<hbm>>
    %dma_start3A_18 = tpu.memref_squeeze %dma_start3A_17 : memref<1x10000x64xf32, #tpu.memory_space<hbm>> -> memref<10000x64xf32, #tpu.memory_space<hbm>>
    %dma_start3A_19 = arith.constant 0 : i32
    %dma_start3A_20 = arith.constant 0 : i32
    %dma_start3A_21 = tpu.memref_slice %dma_start3A_18[%dma_start3A_19, %dma_start3A_20] : memref<10000x64xf32, #tpu.memory_space<hbm>> -> memref<10000x64xf32, #tpu.memory_space<hbm>>
    tpu.enqueue_indirect_dma source(%dma_start3A_21 : memref<10000x64xf32, #tpu.memory_space<hbm>>) target(%arg10 : memref<128x64xf32, #tpu.memory_space<vmem>>) offsets(%dma_start3A_14 : memref<128xi32, #tpu.memory_space<vmem>>) semaphore(%arg12 : memref<!tpu.dma_semaphore, #tpu.memory_space<semaphore_mem>>)
    %dma_start3A_22 = arith.constant 0 : i32
    %dma_start3A_23 = tpu.memref_slice %arg3[%mul3A_11, %dma_start3A_22] : memref<2624x128xi32, #tpu.memory_space<hbm>> -> memref<1x128xi32, #tpu.memory_space<hbm>>
    %dma_start3A_24 = tpu.memref_squeeze %dma_start3A_23 : memref<1x128xi32, #tpu.memory_space<hbm>> -> memref<128xi32, #tpu.memory_space<hbm>>
    %dma_start3A_25 = arith.constant 0 : i32
    %dma_start3A_26 = tpu.memref_slice %arg3[%mul3A_11, %dma_start3A_25] : memref<2624x128xi32, #tpu.memory_space<hbm>> -> memref<1x128xi32, #tpu.memory_space<hbm>>
    %dma_start3A_27 = tpu.memref_squeeze %dma_start3A_26 : memref<1x128xi32, #tpu.memory_space<hbm>> -> memref<128xi32, #tpu.memory_space<hbm>>
    tpu.enqueue_dma source(%dma_start3A_27 : memref<128xi32, #tpu.memory_space<hbm>>) target(%arg8 : memref<128xi32, #tpu.memory_space<vmem>>) target_semaphore(%arg14 : memref<!tpu.dma_semaphore, #tpu.memory_space<semaphore_mem>>)
    %scan3A_28 = arith.constant 0 : i32
    %scan3A_29 = arith.constant 82 : i32
    %scan3A_30 = arith.addi %scan3A_28, %scan3A_29 : i32
    %scan3A_31 = arith.constant 1 : i32
    scf.for %scan3A_34 = %scan3A_28 to %scan3A_30 step %scan3A_31  : i32 {
      %mul3A_35 = arith.constant 2 : i32
      %mul3A_36 = arith.muli %scan3A_34, %mul3A_35 : i32
      %add3A = arith.constant 0 : i32
      %add3A_37 = arith.addi %add3A, %mul3A_36 : i32
      %add3A_38 = arith.addi %mul3A_11, %add3A_37 : i32
      %add3A_39 = arith.constant 1 : i32
      %add3A_40 = arith.addi %add3A_37, %add3A_39 : i32
      %dma_start3A_41 = arith.constant 0 : i32
      %dma_start3A_42 = tpu.memref_slice %arg7[%add3A_40, %dma_start3A_41] : memref<164x128xi32, #tpu.memory_space<vmem>> -> memref<1x128xi32, #tpu.memory_space<vmem>>
      %dma_start3A_43 = tpu.memref_squeeze %dma_start3A_42 : memref<1x128xi32, #tpu.memory_space<vmem>> -> memref<128xi32, #tpu.memory_space<vmem>>
      %dma_start3A_44 = arith.constant 0 : i32
      %dma_start3A_45 = arith.constant 0 : i32
      %dma_start3A_46 = tpu.memref_slice %arg4[%arg0, %dma_start3A_44, %dma_start3A_45] : memref<2x10000x64xf32, #tpu.memory_space<hbm>> -> memref<1x10000x64xf32, #tpu.memory_space<hbm>>
      %dma_start3A_47 = tpu.memref_squeeze %dma_start3A_46 : memref<1x10000x64xf32, #tpu.memory_space<hbm>> -> memref<10000x64xf32, #tpu.memory_space<hbm>>
      %dma_start3A_48 = arith.constant 0 : i32
      %dma_start3A_49 = arith.constant 0 : i32
      %dma_start3A_50 = tpu.memref_slice %dma_start3A_47[%dma_start3A_48, %dma_start3A_49] : memref<10000x64xf32, #tpu.memory_space<hbm>> -> memref<10000x64xf32, #tpu.memory_space<hbm>>
      tpu.enqueue_indirect_dma source(%dma_start3A_50 : memref<10000x64xf32, #tpu.memory_space<hbm>>) target(%arg11 : memref<128x64xf32, #tpu.memory_space<vmem>>) offsets(%dma_start3A_43 : memref<128xi32, #tpu.memory_space<vmem>>) semaphore(%arg13 : memref<!tpu.dma_semaphore, #tpu.memory_space<semaphore_mem>>)
      %add3A_51 = arith.constant 1 : i32
      %add3A_52 = arith.addi %add3A_38, %add3A_51 : i32
      %dma_start3A_53 = arith.constant 0 : i32
      %dma_start3A_54 = tpu.memref_slice %arg3[%add3A_52, %dma_start3A_53] : memref<2624x128xi32, #tpu.memory_space<hbm>> -> memref<1x128xi32, #tpu.memory_space<hbm>>
      %dma_start3A_55 = tpu.memref_squeeze %dma_start3A_54 : memref<1x128xi32, #tpu.memory_space<hbm>> -> memref<128xi32, #tpu.memory_space<hbm>>
      %dma_start3A_56 = arith.constant 0 : i32
      %dma_start3A_57 = tpu.memref_slice %arg3[%add3A_52, %dma_start3A_56] : memref<2624x128xi32, #tpu.memory_space<hbm>> -> memref<1x128xi32, #tpu.memory_space<hbm>>
      %dma_start3A_58 = tpu.memref_squeeze %dma_start3A_57 : memref<1x128xi32, #tpu.memory_space<hbm>> -> memref<128xi32, #tpu.memory_space<hbm>>
      tpu.enqueue_dma source(%dma_start3A_58 : memref<128xi32, #tpu.memory_space<hbm>>) target(%arg9 : memref<128xi32, #tpu.memory_space<vmem>>) target_semaphore(%arg15 : memref<!tpu.dma_semaphore, #tpu.memory_space<semaphore_mem>>)
      %dma_wait3A = arith.constant 0 : i32
      %dma_wait3A_59 = tpu.memref_slice %arg7[%add3A_37, %dma_wait3A] : memref<164x128xi32, #tpu.memory_space<vmem>> -> memref<1x128xi32, #tpu.memory_space<vmem>>
      %dma_wait3A_60 = tpu.memref_squeeze %dma_wait3A_59 : memref<1x128xi32, #tpu.memory_space<vmem>> -> memref<128xi32, #tpu.memory_space<vmem>>
      %dma_wait3A_61 = arith.constant 0 : i32
      %dma_wait3A_62 = arith.constant 0 : i32
      %dma_wait3A_63 = tpu.memref_slice %arg4[%arg0, %dma_wait3A_61, %dma_wait3A_62] : memref<2x10000x64xf32, #tpu.memory_space<hbm>> -> memref<1x10000x64xf32, #tpu.memory_space<hbm>>
      %dma_wait3A_64 = tpu.memref_squeeze %dma_wait3A_63 : memref<1x10000x64xf32, #tpu.memory_space<hbm>> -> memref<10000x64xf32, #tpu.memory_space<hbm>>
      %dma_wait3A_65 = arith.constant 0 : i32
      %dma_wait3A_66 = arith.constant 0 : i32
      %dma_wait3A_67 = tpu.memref_slice %dma_wait3A_64[%dma_wait3A_65, %dma_wait3A_66] : memref<10000x64xf32, #tpu.memory_space<hbm>> -> memref<10000x64xf32, #tpu.memory_space<hbm>>
      tpu.wait_indirect_dma semaphore(%arg12 : memref<!tpu.dma_semaphore, #tpu.memory_space<semaphore_mem>>) src(%dma_wait3A_67 : memref<10000x64xf32, #tpu.memory_space<hbm>>) dst(%arg10 : memref<128x64xf32, #tpu.memory_space<vmem>>)
      %dma_wait3A_68 = arith.constant 0 : i32
      %dma_wait3A_69 = tpu.memref_slice %arg3[%add3A_38, %dma_wait3A_68] : memref<2624x128xi32, #tpu.memory_space<hbm>> -> memref<1x128xi32, #tpu.memory_space<hbm>>
      %dma_wait3A_70 = tpu.memref_squeeze %dma_wait3A_69 : memref<1x128xi32, #tpu.memory_space<hbm>> -> memref<128xi32, #tpu.memory_space<hbm>>
      %dma_wait3A_71 = arith.constant 0 : i32
      %dma_wait3A_72 = tpu.memref_slice %arg3[%add3A_38, %dma_wait3A_71] : memref<2624x128xi32, #tpu.memory_space<hbm>> -> memref<1x128xi32, #tpu.memory_space<hbm>>
      %dma_wait3A_73 = tpu.memref_squeeze %dma_wait3A_72 : memref<1x128xi32, #tpu.memory_space<hbm>> -> memref<128xi32, #tpu.memory_space<hbm>>
      tpu.wait_dma2 semaphore(%arg14 : memref<!tpu.dma_semaphore, #tpu.memory_space<semaphore_mem>>) src(%dma_wait3A_73 : memref<128xi32, #tpu.memory_space<hbm>>) dst(%arg8 : memref<128xi32, #tpu.memory_space<vmem>>)
      "tpu.region"() ({
        %run_scoped3A = tpu.sem_alloc : memref<!tpu.dma_semaphore, #tpu.memory_space<semaphore_mem>>
        %dma_start3A_98 = arith.constant 0 : i32
        %dma_start3A_99 = arith.constant 0 : i32
        %dma_start3A_100 = tpu.memref_slice %arg6[%dma_start3A_98, %dma_start3A_99] : memref<10240x64xf32, #tpu.memory_space<vmem_shared>> -> memref<10240x64xf32, #tpu.memory_space<vmem_shared>>
        tpu.enqueue_indirect_dma source(%arg10 : memref<128x64xf32, #tpu.memory_space<vmem>>) target(%dma_start3A_100 : memref<10240x64xf32, #tpu.memory_space<vmem_shared>>) offsets(%arg8 : memref<128xi32, #tpu.memory_space<vmem>>) semaphore(%run_scoped3A : memref<!tpu.dma_semaphore, #tpu.memory_space<semaphore_mem>>) {add = true}
        %dma_wait3A_101 = arith.constant 0 : i32
        %dma_wait3A_102 = arith.constant 0 : i32
        %dma_wait3A_103 = tpu.memref_slice %arg6[%dma_wait3A_101, %dma_wait3A_102] : memref<10240x64xf32, #tpu.memory_space<vmem_shared>> -> memref<10240x64xf32, #tpu.memory_space<vmem_shared>>
        tpu.wait_indirect_dma semaphore(%run_scoped3A : memref<!tpu.dma_semaphore, #tpu.memory_space<semaphore_mem>>) src(%arg10 : memref<128x64xf32, #tpu.memory_space<vmem>>) dst(%dma_wait3A_103 : memref<10240x64xf32, #tpu.memory_space<vmem_shared>>)
        tpu.yield
      }) : () -> ()
      %add3A_74 = arith.constant 2 : i32
      %add3A_75 = arith.addi %add3A_37, %add3A_74 : i32
      %lt3A = arith.constant 164 : i32
      %lt3A_76 = arith.cmpi slt, %add3A_75, %lt3A : i32
      %convert_element_type3A = arith.extui %lt3A_76 : i1 to i32
      %cond3A = arith.constant 0 : i32
      %cond3A_77 = arith.cmpi ne, %convert_element_type3A, %cond3A : i32
      scf.if %cond3A_77 {
        %add3A_98 = arith.constant 2 : i32
        %add3A_99 = arith.addi %add3A_37, %add3A_98 : i32
        %dma_start3A_100 = arith.constant 0 : i32
        %dma_start3A_101 = tpu.memref_slice %arg7[%add3A_99, %dma_start3A_100] : memref<164x128xi32, #tpu.memory_space<vmem>> -> memref<1x128xi32, #tpu.memory_space<vmem>>
        %dma_start3A_102 = tpu.memref_squeeze %dma_start3A_101 : memref<1x128xi32, #tpu.memory_space<vmem>> -> memref<128xi32, #tpu.memory_space<vmem>>
        %dma_start3A_103 = arith.constant 0 : i32
        %dma_start3A_104 = arith.constant 0 : i32
        %dma_start3A_105 = tpu.memref_slice %arg4[%arg0, %dma_start3A_103, %dma_start3A_104] : memref<2x10000x64xf32, #tpu.memory_space<hbm>> -> memref<1x10000x64xf32, #tpu.memory_space<hbm>>
        %dma_start3A_106 = tpu.memref_squeeze %dma_start3A_105 : memref<1x10000x64xf32, #tpu.memory_space<hbm>> -> memref<10000x64xf32, #tpu.memory_space<hbm>>
        %dma_start3A_107 = arith.constant 0 : i32
        %dma_start3A_108 = arith.constant 0 : i32
        %dma_start3A_109 = tpu.memref_slice %dma_start3A_106[%dma_start3A_107, %dma_start3A_108] : memref<10000x64xf32, #tpu.memory_space<hbm>> -> memref<10000x64xf32, #tpu.memory_space<hbm>>
        tpu.enqueue_indirect_dma source(%dma_start3A_109 : memref<10000x64xf32, #tpu.memory_space<hbm>>) target(%arg10 : memref<128x64xf32, #tpu.memory_space<vmem>>) offsets(%dma_start3A_102 : memref<128xi32, #tpu.memory_space<vmem>>) semaphore(%arg12 : memref<!tpu.dma_semaphore, #tpu.memory_space<semaphore_mem>>)
        %add3A_110 = arith.constant 2 : i32
        %add3A_111 = arith.addi %add3A_38, %add3A_110 : i32
        %dma_start3A_112 = arith.constant 0 : i32
        %dma_start3A_113 = tpu.memref_slice %arg3[%add3A_111, %dma_start3A_112] : memref<2624x128xi32, #tpu.memory_space<hbm>> -> memref<1x128xi32, #tpu.memory_space<hbm>>
        %dma_start3A_114 = tpu.memref_squeeze %dma_start3A_113 : memref<1x128xi32, #tpu.memory_space<hbm>> -> memref<128xi32, #tpu.memory_space<hbm>>
        %dma_start3A_115 = arith.constant 0 : i32
        %dma_start3A_116 = tpu.memref_slice %arg3[%add3A_111, %dma_start3A_115] : memref<2624x128xi32, #tpu.memory_space<hbm>> -> memref<1x128xi32, #tpu.memory_space<hbm>>
        %dma_start3A_117 = tpu.memref_squeeze %dma_start3A_116 : memref<1x128xi32, #tpu.memory_space<hbm>> -> memref<128xi32, #tpu.memory_space<hbm>>
        tpu.enqueue_dma source(%dma_start3A_117 : memref<128xi32, #tpu.memory_space<hbm>>) target(%arg8 : memref<128xi32, #tpu.memory_space<vmem>>) target_semaphore(%arg14 : memref<!tpu.dma_semaphore, #tpu.memory_space<semaphore_mem>>)
      } else {
      }
      %add3A_78 = arith.constant 1 : i32
      %add3A_79 = arith.addi %add3A_37, %add3A_78 : i32
      %dma_wait3A_80 = arith.constant 0 : i32
      %dma_wait3A_81 = tpu.memref_slice %arg7[%add3A_79, %dma_wait3A_80] : memref<164x128xi32, #tpu.memory_space<vmem>> -> memref<1x128xi32, #tpu.memory_space<vmem>>
      %dma_wait3A_82 = tpu.memref_squeeze %dma_wait3A_81 : memref<1x128xi32, #tpu.memory_space<vmem>> -> memref<128xi32, #tpu.memory_space<vmem>>
      %dma_wait3A_83 = arith.constant 0 : i32
      %dma_wait3A_84 = arith.constant 0 : i32
      %dma_wait3A_85 = tpu.memref_slice %arg4[%arg0, %dma_wait3A_83, %dma_wait3A_84] : memref<2x10000x64xf32, #tpu.memory_space<hbm>> -> memref<1x10000x64xf32, #tpu.memory_space<hbm>>
      %dma_wait3A_86 = tpu.memref_squeeze %dma_wait3A_85 : memref<1x10000x64xf32, #tpu.memory_space<hbm>> -> memref<10000x64xf32, #tpu.memory_space<hbm>>
      %dma_wait3A_87 = arith.constant 0 : i32
      %dma_wait3A_88 = arith.constant 0 : i32
      %dma_wait3A_89 = tpu.memref_slice %dma_wait3A_86[%dma_wait3A_87, %dma_wait3A_88] : memref<10000x64xf32, #tpu.memory_space<hbm>> -> memref<10000x64xf32, #tpu.memory_space<hbm>>
      tpu.wait_indirect_dma semaphore(%arg13 : memref<!tpu.dma_semaphore, #tpu.memory_space<semaphore_mem>>) src(%dma_wait3A_89 : memref<10000x64xf32, #tpu.memory_space<hbm>>) dst(%arg11 : memref<128x64xf32, #tpu.memory_space<vmem>>)
      %add3A_90 = arith.constant 1 : i32
      %add3A_91 = arith.addi %add3A_38, %add3A_90 : i32
      %dma_wait3A_92 = arith.constant 0 : i32
      %dma_wait3A_93 = tpu.memref_slice %arg3[%add3A_91, %dma_wait3A_92] : memref<2624x128xi32, #tpu.memory_space<hbm>> -> memref<1x128xi32, #tpu.memory_space<hbm>>
      %dma_wait3A_94 = tpu.memref_squeeze %dma_wait3A_93 : memref<1x128xi32, #tpu.memory_space<hbm>> -> memref<128xi32, #tpu.memory_space<hbm>>
      %dma_wait3A_95 = arith.constant 0 : i32
      %dma_wait3A_96 = tpu.memref_slice %arg3[%add3A_91, %dma_wait3A_95] : memref<2624x128xi32, #tpu.memory_space<hbm>> -> memref<1x128xi32, #tpu.memory_space<hbm>>
      %dma_wait3A_97 = tpu.memref_squeeze %dma_wait3A_96 : memref<1x128xi32, #tpu.memory_space<hbm>> -> memref<128xi32, #tpu.memory_space<hbm>>
      tpu.wait_dma2 semaphore(%arg15 : memref<!tpu.dma_semaphore, #tpu.memory_space<semaphore_mem>>) src(%dma_wait3A_97 : memref<128xi32, #tpu.memory_space<hbm>>) dst(%arg9 : memref<128xi32, #tpu.memory_space<vmem>>)
      "tpu.region"() ({
        %run_scoped3A = tpu.sem_alloc : memref<!tpu.dma_semaphore, #tpu.memory_space<semaphore_mem>>
        %dma_start3A_98 = arith.constant 0 : i32
        %dma_start3A_99 = arith.constant 0 : i32
        %dma_start3A_100 = tpu.memref_slice %arg6[%dma_start3A_98, %dma_start3A_99] : memref<10240x64xf32, #tpu.memory_space<vmem_shared>> -> memref<10240x64xf32, #tpu.memory_space<vmem_shared>>
        tpu.enqueue_indirect_dma source(%arg11 : memref<128x64xf32, #tpu.memory_space<vmem>>) target(%dma_start3A_100 : memref<10240x64xf32, #tpu.memory_space<vmem_shared>>) offsets(%arg9 : memref<128xi32, #tpu.memory_space<vmem>>) semaphore(%run_scoped3A : memref<!tpu.dma_semaphore, #tpu.memory_space<semaphore_mem>>) {add = true}
        %dma_wait3A_101 = arith.constant 0 : i32
        %dma_wait3A_102 = arith.constant 0 : i32
        %dma_wait3A_103 = tpu.memref_slice %arg6[%dma_wait3A_101, %dma_wait3A_102] : memref<10240x64xf32, #tpu.memory_space<vmem_shared>> -> memref<10240x64xf32, #tpu.memory_space<vmem_shared>>
        tpu.wait_indirect_dma semaphore(%run_scoped3A : memref<!tpu.dma_semaphore, #tpu.memory_space<semaphore_mem>>) src(%arg11 : memref<128x64xf32, #tpu.memory_space<vmem>>) dst(%dma_wait3A_103 : memref<10240x64xf32, #tpu.memory_space<vmem_shared>>)
        tpu.yield
      }) : () -> ()
    }
    %scan3A_32 = arith.constant 82 : i32
    %barrier3A_33 = arith.constant 0 : index
    tpu.barrier barrier_id(%barrier3A_33)
    "tpu.region"() ({
      %run_scoped3A = tpu.sem_alloc : memref<!tpu.dma_semaphore, #tpu.memory_space<semaphore_mem>>
      %dma_start3A_34 = arith.constant 0 : i32
      %dma_start3A_35 = tpu.memref_slice %arg5[%arg0, %mul3A_4, %dma_start3A_34] : memref<2x10240x64xf32, #tpu.memory_space<hbm>> -> memref<1x640x64xf32, #tpu.memory_space<hbm>>
      %dma_start3A_36 = tpu.memref_squeeze %dma_start3A_35 : memref<1x640x64xf32, #tpu.memory_space<hbm>> -> memref<640x64xf32, #tpu.memory_space<hbm>>
      %dma_start3A_37 = arith.constant 0 : i32
      %dma_start3A_38 = tpu.memref_slice %arg6[%mul3A_4, %dma_start3A_37] : memref<10240x64xf32, #tpu.memory_space<vmem_shared>> -> memref<640x64xf32, #tpu.memory_space<vmem_shared>>
      tpu.enqueue_dma source(%dma_start3A_38 : memref<640x64xf32, #tpu.memory_space<vmem_shared>>) target(%dma_start3A_36 : memref<640x64xf32, #tpu.memory_space<hbm>>) target_semaphore(%run_scoped3A : memref<!tpu.dma_semaphore, #tpu.memory_space<semaphore_mem>>)
      %dma_wait3A = arith.constant 0 : i32
      %dma_wait3A_39 = tpu.memref_slice %arg5[%arg0, %mul3A_4, %dma_wait3A] : memref<2x10240x64xf32, #tpu.memory_space<hbm>> -> memref<1x640x64xf32, #tpu.memory_space<hbm>>
      %dma_wait3A_40 = tpu.memref_squeeze %dma_wait3A_39 : memref<1x640x64xf32, #tpu.memory_space<hbm>> -> memref<640x64xf32, #tpu.memory_space<hbm>>
      %dma_wait3A_41 = arith.constant 0 : i32
      %dma_wait3A_42 = tpu.memref_slice %arg6[%mul3A_4, %dma_wait3A_41] : memref<10240x64xf32, #tpu.memory_space<vmem_shared>> -> memref<640x64xf32, #tpu.memory_space<vmem_shared>>
      tpu.wait_dma2 semaphore(%run_scoped3A : memref<!tpu.dma_semaphore, #tpu.memory_space<semaphore_mem>>) src(%dma_wait3A_42 : memref<640x64xf32, #tpu.memory_space<vmem_shared>>) dst(%dma_wait3A_40 : memref<640x64xf32, #tpu.memory_space<hbm>>)
      tpu.yield
    }) : () -> ()
    return
  }
}

module attributes {stable_mosaic.version = 14 : i64} {
  func.func @body(%arg0: i32, %arg1: memref<1024x128xf32, #tpu.memory_space<vmem>>, %arg2: memref<128x128xf32, #tpu.memory_space<vmem>>, %arg3: memref<1024x128xf32, #tpu.memory_space<vmem>>) attributes {dimension_semantics = [#tpu.dimension_semantics<arbitrary>], iteration_bounds = array<i64: 10>, scalar_prefetch = 0 : i64, scratch_operands = 0 : i64, tpu.core_type = #tpu.core_type<tc>, window_params = [{transform_indices = @transform_0, window_bounds = array<i64: 1024, 128>}, {pipeline_mode = #tpu.pipeline_mode<synchronous>, transform_indices = @transform_1, window_bounds = array<i64: 128, 128>}, {transform_indices = @transform_2, window_bounds = array<i64: 1024, 128>}]} {
    %get3A = arith.constant 0 : index
    %get3A_0 = arith.constant 0 : index
    %get3A_1 = vector.load %arg1[%get3A, %get3A_0] : memref<1024x128xf32, #tpu.memory_space<vmem>>, vector<1024x128xf32>
    %get3A_2 = arith.constant 0 : index
    %get3A_3 = arith.constant 0 : index
    %get3A_4 = vector.load %arg2[%get3A_2, %get3A_3] : memref<128x128xf32, #tpu.memory_space<vmem>>, vector<128x128xf32>
    %dot_general3A = arith.constant dense<0.000000e+00> : vector<1024x128xf32>
    %dot_general3A_5 = tpu.matmul %get3A_1, %get3A_4, %dot_general3A {dimension_numbers = #tpu.dot_dimension_numbers<[1], [0], [0], [1], [0, 0, 1, 1], [], []>, transpose_lhs_hint = false} : vector<1024x128xf32>, vector<128x128xf32>, vector<1024x128xf32> -> vector<1024x128xf32>
    %swap3A = arith.constant 0 : index
    %swap3A_6 = arith.constant 0 : index
    %swap3A_7 = vector.load %arg3[%swap3A, %swap3A_6] : memref<1024x128xf32, #tpu.memory_space<vmem>>, vector<1024x128xf32>
    tpu.vector_store %arg3[%swap3A, %swap3A_6], %dot_general3A_5 {strides = array<i32>} : memref<1024x128xf32, #tpu.memory_space<vmem>>, vector<1024x128xf32>,
    return
  }
  func.func @transform_0(%arg0: i32) -> (i32, i32) {
    %c0_i32 = arith.constant 0 : i32
    %c0_i32_0 = arith.constant 0 : i32
    return %arg0, %c0_i32 : i32, i32
  }
  func.func @transform_1(%arg0: i32) -> (i32, i32) {
    %c0_i32 = arith.constant 0 : i32
    %c0_i32_0 = arith.constant 0 : i32
    %c0_i32_1 = arith.constant 0 : i32
    return %c0_i32, %c0_i32_0 : i32, i32
  }
  func.func @transform_2(%arg0: i32) -> (i32, i32) {
    %c0_i32 = arith.constant 0 : i32
    %c0_i32_0 = arith.constant 0 : i32
    return %arg0, %c0_i32 : i32, i32
  }
}

module attributes {stable_mosaic.version = 14 : i64} {
  func.func @body(%arg0: i32, %arg1: memref<1024x128xf32, #tpu.memory_space<vmem>>, %arg2: memref<1024x1xf32, #tpu.memory_space<vmem>>, %arg3: memref<1024x1xf32, #tpu.memory_space<vmem>>, %arg4: memref<2x1024x64xf32, #tpu.memory_space<vmem>>, %arg5: memref<1024x1xf32, #tpu.memory_space<vmem>>) attributes {dimension_semantics = [#tpu.dimension_semantics<arbitrary>], iteration_bounds = array<i64: 10>, scalar_prefetch = 0 : i64, scratch_operands = 0 : i64, tpu.core_type = #tpu.core_type<tc>, window_params = [{transform_indices = @transform_0, window_bounds = array<i64: 1024, 128>}, {transform_indices = @transform_1, window_bounds = array<i64: 1024, 1>}, {transform_indices = @transform_2, window_bounds = array<i64: 1024, 1>}, {transform_indices = @transform_3, window_bounds = array<i64: 2, 1024, 64>}, {transform_indices = @transform_4, window_bounds = array<i64: 1024, 1>}]} {
    %get3A = arith.constant 0 : index
    %get3A_0 = arith.constant 0 : index
    %get3A_1 = vector.load %arg2[%get3A, %get3A_0] : memref<1024x1xf32, #tpu.memory_space<vmem>>, vector<1024x1xf32>
    %get3A_2 = arith.constant 0 : index
    %get3A_3 = arith.constant 0 : index
    %get3A_4 = vector.load %arg3[%get3A_2, %get3A_3] : memref<1024x1xf32, #tpu.memory_space<vmem>>, vector<1024x1xf32>
    %add3A = arith.addf %get3A_1, %get3A_4 : vector<1024x1xf32>
    %max3A = arith.constant 9.99999996E-13 : f32
    %max3A_5 = vector.broadcast %max3A : f32 to vector<1024x1xf32>
    %max3A_6 = arith.maximumf %add3A, %max3A_5 : vector<1024x1xf32>
    %rsqrt3A = math.rsqrt %max3A_6 : vector<1024x1xf32>
    %swap3A = arith.constant 0 : index
    %swap3A_7 = arith.constant 0 : index
    %swap3A_8 = vector.load %arg5[%swap3A, %swap3A_7] : memref<1024x1xf32, #tpu.memory_space<vmem>>, vector<1024x1xf32>
    tpu.vector_store %arg5[%swap3A, %swap3A_7], %rsqrt3A {strides = array<i32>} : memref<1024x1xf32, #tpu.memory_space<vmem>>, vector<1024x1xf32>,
    %get3A_9 = arith.constant 0 : index
    %get3A_10 = arith.constant 0 : index
    %get3A_11 = vector.load %arg1[%get3A_9, %get3A_10] : memref<1024x128xf32, #tpu.memory_space<vmem>>, vector<1024x128xf32>
    %mul3A = vector.broadcast %rsqrt3A : vector<1024x1xf32> to vector<1024x128xf32>
    %mul3A_12 = arith.mulf %get3A_11, %mul3A : vector<1024x128xf32>
    %slice3A = vector.extract_strided_slice %mul3A_12 {offsets = [0, 0], sizes = [1024, 64], strides = [1, 1]} : vector<1024x128xf32> to vector<1024x64xf32>
    %swap3A_13 = arith.constant 0 : index
    %swap3A_14 = arith.constant 0 : index
    %swap3A_15 = arith.constant 0 : index
    %swap3A_16 = vector.load %arg4[%swap3A_13, %swap3A_14, %swap3A_15] : memref<2x1024x64xf32, #tpu.memory_space<vmem>>, vector<1x1024x64xf32>
    %swap3A_17 = vector.shape_cast %swap3A_16 : vector<1x1024x64xf32> to vector<1024x64xf32>
    %swap3A_18 = vector.shape_cast %slice3A : vector<1024x64xf32> to vector<1x1024x64xf32>
    tpu.vector_store %arg4[%swap3A_13, %swap3A_14, %swap3A_15], %swap3A_18 {strides = array<i32>} : memref<2x1024x64xf32, #tpu.memory_space<vmem>>, vector<1x1024x64xf32>,
    %slice3A_19 = vector.extract_strided_slice %mul3A_12 {offsets = [0, 64], sizes = [1024, 64], strides = [1, 1]} : vector<1024x128xf32> to vector<1024x64xf32>
    %swap3A_20 = arith.constant 1 : index
    %swap3A_21 = arith.constant 0 : index
    %swap3A_22 = arith.constant 0 : index
    %swap3A_23 = vector.load %arg4[%swap3A_20, %swap3A_21, %swap3A_22] : memref<2x1024x64xf32, #tpu.memory_space<vmem>>, vector<1x1024x64xf32>
    %swap3A_24 = vector.shape_cast %swap3A_23 : vector<1x1024x64xf32> to vector<1024x64xf32>
    %swap3A_25 = vector.shape_cast %slice3A_19 : vector<1024x64xf32> to vector<1x1024x64xf32>
    tpu.vector_store %arg4[%swap3A_20, %swap3A_21, %swap3A_22], %swap3A_25 {strides = array<i32>} : memref<2x1024x64xf32, #tpu.memory_space<vmem>>, vector<1x1024x64xf32>,
    return
  }
  func.func @transform_0(%arg0: i32) -> (i32, i32) {
    %c0_i32 = arith.constant 0 : i32
    %c0_i32_0 = arith.constant 0 : i32
    return %arg0, %c0_i32 : i32, i32
  }
  func.func @transform_1(%arg0: i32) -> (i32, i32) {
    %c0_i32 = arith.constant 0 : i32
    %c0_i32_0 = arith.constant 0 : i32
    return %arg0, %c0_i32 : i32, i32
  }
  func.func @transform_2(%arg0: i32) -> (i32, i32) {
    %c0_i32 = arith.constant 0 : i32
    %c0_i32_0 = arith.constant 0 : i32
    return %arg0, %c0_i32 : i32, i32
  }
  func.func @transform_3(%arg0: i32) -> (i32, i32, i32) {
    %c0_i32 = arith.constant 0 : i32
    %c0_i32_0 = arith.constant 0 : i32
    %c0_i32_1 = arith.constant 0 : i32
    return %c0_i32, %arg0, %c0_i32_0 : i32, i32, i32
  }
  func.func @transform_4(%arg0: i32) -> (i32, i32) {
    %c0_i32 = arith.constant 0 : i32
    %c0_i32_0 = arith.constant 0 : i32
    return %arg0, %c0_i32 : i32, i32
  }
}

module attributes {stable_mosaic.version = 14 : i64} {
  func.func @body(%arg0: i32, %arg1: memref<2x1024x64xf32, #tpu.memory_space<vmem>>, %arg2: memref<1024x1xf32, #tpu.memory_space<vmem>>, %arg3: memref<1x128xf32, #tpu.memory_space<vmem>>, %arg4: memref<128x64xf32, #tpu.memory_space<vmem>>, %arg5: memref<2x1024x32xf32, #tpu.memory_space<vmem>>) attributes {dimension_semantics = [#tpu.dimension_semantics<arbitrary>], iteration_bounds = array<i64: 10>, scalar_prefetch = 0 : i64, scratch_operands = 0 : i64, tpu.core_type = #tpu.core_type<tc>, window_params = [{transform_indices = @transform_0, window_bounds = array<i64: 2, 1024, 64>}, {transform_indices = @transform_1, window_bounds = array<i64: 1024, 1>}, {pipeline_mode = #tpu.pipeline_mode<synchronous>, transform_indices = @transform_2, window_bounds = array<i64: 1, 128>}, {pipeline_mode = #tpu.pipeline_mode<synchronous>, transform_indices = @transform_3, window_bounds = array<i64: 128, 64>}, {transform_indices = @transform_4, window_bounds = array<i64: 2, 1024, 32>}]} {
    %get3A = arith.constant 0 : index
    %get3A_0 = arith.constant 0 : index
    %get3A_1 = vector.load %arg2[%get3A, %get3A_0] : memref<1024x1xf32, #tpu.memory_space<vmem>>, vector<1024x1xf32>
    %get3A_2 = arith.constant 0 : index
    %get3A_3 = arith.constant 0 : index
    %get3A_4 = vector.load %arg3[%get3A_2, %get3A_3] : memref<1x128xf32, #tpu.memory_space<vmem>>, vector<1x128xf32>
    %get3A_5 = arith.constant 0 : index
    %get3A_6 = arith.constant 0 : index
    %get3A_7 = vector.load %arg4[%get3A_5, %get3A_6] : memref<128x64xf32, #tpu.memory_space<vmem>>, vector<128x64xf32>
    %get3A_8 = arith.constant 0 : index
    %get3A_9 = arith.constant 0 : index
    %get3A_10 = arith.constant 0 : index
    %get3A_11 = vector.load %arg1[%get3A_8, %get3A_9, %get3A_10] : memref<2x1024x64xf32, #tpu.memory_space<vmem>>, vector<1x1024x64xf32>
    %get3A_12 = vector.shape_cast %get3A_11 : vector<1x1024x64xf32> to vector<1024x64xf32>
    %mul3A = vector.broadcast %get3A_1 : vector<1024x1xf32> to vector<1024x64xf32>
    %mul3A_13 = arith.mulf %mul3A, %get3A_12 : vector<1024x64xf32>
    %slice3A = vector.extract_strided_slice %get3A_4 {offsets = [0, 0], sizes = [1, 64], strides = [1, 1]} : vector<1x128xf32> to vector<1x64xf32>
    %add3A = vector.broadcast %slice3A : vector<1x64xf32> to vector<1024x64xf32>
    %add3A_14 = arith.addf %mul3A_13, %add3A : vector<1024x64xf32>
    %max3A = arith.constant 0.000000e+00 : f32
    %max3A_15 = vector.broadcast %max3A : f32 to vector<1024x64xf32>
    %max3A_16 = arith.maximumf %add3A_14, %max3A_15 : vector<1024x64xf32>
    %get3A_17 = arith.constant 1 : index
    %get3A_18 = arith.constant 0 : index
    %get3A_19 = arith.constant 0 : index
    %get3A_20 = vector.load %arg1[%get3A_17, %get3A_18, %get3A_19] : memref<2x1024x64xf32, #tpu.memory_space<vmem>>, vector<1x1024x64xf32>
    %get3A_21 = vector.shape_cast %get3A_20 : vector<1x1024x64xf32> to vector<1024x64xf32>
    %mul3A_22 = vector.broadcast %get3A_1 : vector<1024x1xf32> to vector<1024x64xf32>
    %mul3A_23 = arith.mulf %mul3A_22, %get3A_21 : vector<1024x64xf32>
    %slice3A_24 = vector.extract_strided_slice %get3A_4 {offsets = [0, 64], sizes = [1, 64], strides = [1, 1]} : vector<1x128xf32> to vector<1x64xf32>
    %add3A_25 = vector.broadcast %slice3A_24 : vector<1x64xf32> to vector<1024x64xf32>
    %add3A_26 = arith.addf %mul3A_23, %add3A_25 : vector<1024x64xf32>
    %max3A_27 = arith.constant 0.000000e+00 : f32
    %max3A_28 = vector.broadcast %max3A_27 : f32 to vector<1024x64xf32>
    %max3A_29 = arith.maximumf %add3A_26, %max3A_28 : vector<1024x64xf32>
    %slice3A_30 = vector.extract_strided_slice %get3A_7 {offsets = [0, 0], sizes = [64, 64], strides = [1, 1]} : vector<128x64xf32> to vector<64x64xf32>
    %dot_general3A = arith.constant dense<0.000000e+00> : vector<1024x64xf32>
    %dot_general3A_31 = tpu.matmul %max3A_16, %slice3A_30, %dot_general3A {dimension_numbers = #tpu.dot_dimension_numbers<[1], [0], [0], [1], [0, 0, 1, 1], [], []>, transpose_lhs_hint = false} : vector<1024x64xf32>, vector<64x64xf32>, vector<1024x64xf32> -> vector<1024x64xf32>
    %slice3A_32 = vector.extract_strided_slice %get3A_7 {offsets = [64, 0], sizes = [64, 64], strides = [1, 1]} : vector<128x64xf32> to vector<64x64xf32>
    %dot_general3A_33 = arith.constant dense<0.000000e+00> : vector<1024x64xf32>
    %dot_general3A_34 = tpu.matmul %max3A_29, %slice3A_32, %dot_general3A_33 {dimension_numbers = #tpu.dot_dimension_numbers<[1], [0], [0], [1], [0, 0, 1, 1], [], []>, transpose_lhs_hint = false} : vector<1024x64xf32>, vector<64x64xf32>, vector<1024x64xf32> -> vector<1024x64xf32>
    %add3A_35 = arith.addf %dot_general3A_31, %dot_general3A_34 : vector<1024x64xf32>
    %mul3A_36 = vector.broadcast %get3A_1 : vector<1024x1xf32> to vector<1024x64xf32>
    %mul3A_37 = arith.mulf %mul3A_36, %add3A_35 : vector<1024x64xf32>
    %slice3A_38 = vector.extract_strided_slice %mul3A_37 {offsets = [0, 0], sizes = [1024, 32], strides = [1, 1]} : vector<1024x64xf32> to vector<1024x32xf32>
    %swap3A = arith.constant 0 : index
    %swap3A_39 = arith.constant 0 : index
    %swap3A_40 = arith.constant 0 : index
    %swap3A_41 = vector.load %arg5[%swap3A, %swap3A_39, %swap3A_40] : memref<2x1024x32xf32, #tpu.memory_space<vmem>>, vector<1x1024x32xf32>
    %swap3A_42 = vector.shape_cast %swap3A_41 : vector<1x1024x32xf32> to vector<1024x32xf32>
    %swap3A_43 = vector.shape_cast %slice3A_38 : vector<1024x32xf32> to vector<1x1024x32xf32>
    tpu.vector_store %arg5[%swap3A, %swap3A_39, %swap3A_40], %swap3A_43 {strides = array<i32>} : memref<2x1024x32xf32, #tpu.memory_space<vmem>>, vector<1x1024x32xf32>,
    %slice3A_44 = vector.extract_strided_slice %mul3A_37 {offsets = [0, 32], sizes = [1024, 32], strides = [1, 1]} : vector<1024x64xf32> to vector<1024x32xf32>
    %swap3A_45 = arith.constant 1 : index
    %swap3A_46 = arith.constant 0 : index
    %swap3A_47 = arith.constant 0 : index
    %swap3A_48 = vector.load %arg5[%swap3A_45, %swap3A_46, %swap3A_47] : memref<2x1024x32xf32, #tpu.memory_space<vmem>>, vector<1x1024x32xf32>
    %swap3A_49 = vector.shape_cast %swap3A_48 : vector<1x1024x32xf32> to vector<1024x32xf32>
    %swap3A_50 = vector.shape_cast %slice3A_44 : vector<1024x32xf32> to vector<1x1024x32xf32>
    tpu.vector_store %arg5[%swap3A_45, %swap3A_46, %swap3A_47], %swap3A_50 {strides = array<i32>} : memref<2x1024x32xf32, #tpu.memory_space<vmem>>, vector<1x1024x32xf32>,
    return
  }
  func.func @transform_0(%arg0: i32) -> (i32, i32, i32) {
    %c0_i32 = arith.constant 0 : i32
    %c0_i32_0 = arith.constant 0 : i32
    %c0_i32_1 = arith.constant 0 : i32
    return %c0_i32, %arg0, %c0_i32_0 : i32, i32, i32
  }
  func.func @transform_1(%arg0: i32) -> (i32, i32) {
    %c0_i32 = arith.constant 0 : i32
    %c0_i32_0 = arith.constant 0 : i32
    return %arg0, %c0_i32 : i32, i32
  }
  func.func @transform_2(%arg0: i32) -> (i32, i32) {
    %c0_i32 = arith.constant 0 : i32
    %c0_i32_0 = arith.constant 0 : i32
    %c0_i32_1 = arith.constant 0 : i32
    return %c0_i32, %c0_i32_0 : i32, i32
  }
  func.func @transform_3(%arg0: i32) -> (i32, i32) {
    %c0_i32 = arith.constant 0 : i32
    %c0_i32_0 = arith.constant 0 : i32
    %c0_i32_1 = arith.constant 0 : i32
    return %c0_i32, %c0_i32_0 : i32, i32
  }
  func.func @transform_4(%arg0: i32) -> (i32, i32, i32) {
    %c0_i32 = arith.constant 0 : i32
    %c0_i32_0 = arith.constant 0 : i32
    %c0_i32_1 = arith.constant 0 : i32
    return %c0_i32, %arg0, %c0_i32_0 : i32, i32, i32
  }
}

module attributes {stable_mosaic.version = 14 : i64} {
  func.func @body(%arg0: i32, %arg1: memref<2x1024x32xf32, #tpu.memory_space<vmem>>, %arg2: memref<1024x1xf32, #tpu.memory_space<vmem>>, %arg3: memref<1x64xf32, #tpu.memory_space<vmem>>, %arg4: memref<1024x64xf32, #tpu.memory_space<vmem>>) attributes {dimension_semantics = [#tpu.dimension_semantics<arbitrary>], iteration_bounds = array<i64: 10>, scalar_prefetch = 0 : i64, scratch_operands = 0 : i64, tpu.core_type = #tpu.core_type<tc>, window_params = [{transform_indices = @transform_0, window_bounds = array<i64: 2, 1024, 32>}, {transform_indices = @transform_1, window_bounds = array<i64: 1024, 1>}, {pipeline_mode = #tpu.pipeline_mode<synchronous>, transform_indices = @transform_2, window_bounds = array<i64: 1, 64>}, {transform_indices = @transform_3, window_bounds = array<i64: 1024, 64>}]} {
    %get3A = arith.constant 0 : index
    %get3A_0 = arith.constant 0 : index
    %get3A_1 = vector.load %arg2[%get3A, %get3A_0] : memref<1024x1xf32, #tpu.memory_space<vmem>>, vector<1024x1xf32>
    %get3A_2 = arith.constant 0 : index
    %get3A_3 = arith.constant 0 : index
    %get3A_4 = vector.load %arg3[%get3A_2, %get3A_3] : memref<1x64xf32, #tpu.memory_space<vmem>>, vector<1x64xf32>
    %get3A_5 = arith.constant 0 : index
    %get3A_6 = arith.constant 0 : index
    %get3A_7 = arith.constant 0 : index
    %get3A_8 = vector.load %arg1[%get3A_5, %get3A_6, %get3A_7] : memref<2x1024x32xf32, #tpu.memory_space<vmem>>, vector<1x1024x32xf32>
    %get3A_9 = vector.shape_cast %get3A_8 : vector<1x1024x32xf32> to vector<1024x32xf32>
    %mul3A = vector.broadcast %get3A_1 : vector<1024x1xf32> to vector<1024x32xf32>
    %mul3A_10 = arith.mulf %mul3A, %get3A_9 : vector<1024x32xf32>
    %slice3A = vector.extract_strided_slice %get3A_4 {offsets = [0, 0], sizes = [1, 32], strides = [1, 1]} : vector<1x64xf32> to vector<1x32xf32>
    %add3A = vector.broadcast %slice3A : vector<1x32xf32> to vector<1024x32xf32>
    %add3A_11 = arith.addf %mul3A_10, %add3A : vector<1024x32xf32>
    %swap3A = arith.constant 0 : index
    %swap3A_12 = arith.constant 0 : index
    %swap3A_13 = vector.load %arg4[%swap3A, %swap3A_12] : memref<1024x64xf32, #tpu.memory_space<vmem>>, vector<1024x32xf32>
    tpu.vector_store %arg4[%swap3A, %swap3A_12], %add3A_11 {strides = array<i32>} : memref<1024x64xf32, #tpu.memory_space<vmem>>, vector<1024x32xf32>,
    %get3A_14 = arith.constant 1 : index
    %get3A_15 = arith.constant 0 : index
    %get3A_16 = arith.constant 0 : index
    %get3A_17 = vector.load %arg1[%get3A_14, %get3A_15, %get3A_16] : memref<2x1024x32xf32, #tpu.memory_space<vmem>>, vector<1x1024x32xf32>
    %get3A_18 = vector.shape_cast %get3A_17 : vector<1x1024x32xf32> to vector<1024x32xf32>
    %mul3A_19 = vector.broadcast %get3A_1 : vector<1024x1xf32> to vector<1024x32xf32>
    %mul3A_20 = arith.mulf %mul3A_19, %get3A_18 : vector<1024x32xf32>
    %slice3A_21 = vector.extract_strided_slice %get3A_4 {offsets = [0, 32], sizes = [1, 32], strides = [1, 1]} : vector<1x64xf32> to vector<1x32xf32>
    %add3A_22 = vector.broadcast %slice3A_21 : vector<1x32xf32> to vector<1024x32xf32>
    %add3A_23 = arith.addf %mul3A_20, %add3A_22 : vector<1024x32xf32>
    %swap3A_24 = arith.constant 0 : index
    %swap3A_25 = arith.constant 32 : index
    %swap3A_26 = vector.load %arg4[%swap3A_24, %swap3A_25] : memref<1024x64xf32, #tpu.memory_space<vmem>>, vector<1024x32xf32>
    tpu.vector_store %arg4[%swap3A_24, %swap3A_25], %add3A_23 {strides = array<i32>} : memref<1024x64xf32, #tpu.memory_space<vmem>>, vector<1024x32xf32>,
    return
  }
  func.func @transform_0(%arg0: i32) -> (i32, i32, i32) {
    %c0_i32 = arith.constant 0 : i32
    %c0_i32_0 = arith.constant 0 : i32
    %c0_i32_1 = arith.constant 0 : i32
    return %c0_i32, %arg0, %c0_i32_0 : i32, i32, i32
  }
  func.func @transform_1(%arg0: i32) -> (i32, i32) {
    %c0_i32 = arith.constant 0 : i32
    %c0_i32_0 = arith.constant 0 : i32
    return %arg0, %c0_i32 : i32, i32
  }
  func.func @transform_2(%arg0: i32) -> (i32, i32) {
    %c0_i32 = arith.constant 0 : i32
    %c0_i32_0 = arith.constant 0 : i32
    %c0_i32_1 = arith.constant 0 : i32
    return %c0_i32, %c0_i32_0 : i32, i32
  }
  func.func @transform_3(%arg0: i32) -> (i32, i32) {
    %c0_i32 = arith.constant 0 : i32
    %c0_i32_0 = arith.constant 0 : i32
    return %arg0, %c0_i32 : i32, i32
  }
}

</mosaic_0001>

<sc_bundles>
// kernel: kernel.12.cloned.1.call-start
scs
__scs_entry_jumppad:
0x0: {  	(pc) =	sbr.rel $0x88, $3  }
0x1: {  	(tag) =	ssettag $0x0;
	lr =	simm.s32 $0x1  }
0x2: {  	[smem:$0x3F9B] =	sst lr;
	_ =	strace $0xD0000000  }
0x3: {  	_ = 	snop  }
0x4: {  	_ = 	snop  }
0x5: {  	_ = 	snop  }
0x6: {  	_ = 	snop  }
0x7: {  	_ = 	snop  }
__scs_overlays_trampoline_lowered:
0x8: {  	[smem:$0x3FAA] =	sst s0  }
0x9: {  	[smem:$0x3FAB] =	sst s1  }
0xa: {  	[smem:$0x3FAC] =	sst s2  }
0xb: {  	[smem:$0x3FAD] =	sst s3  }
0xc: {  	[smem:$0x3FAE] =	sst s4  }
0xd: {  	[smem:$0x3FAF] =	sst s5  }
0xe: {  	[smem:$0x3FB0] =	sst s6  }
0xf: {  	[smem:$0x3FB1] =	sst s7  }
0x10: {  	[smem:$0x3FB2] =	sst s8  }
0x11: {  	[smem:$0x3FB3] =	sst s9;
	s0 =	simm.s32 @!p0 $0x0  }
0x12: {  	s1 =	sld [smem:$0x3F99];
	s0 =	simm.s32 @p0 $0x1  }
0x13: {  	[smem:$0x3FB4] =	sst s0;
	s0 =	simm.s32 @!p1 $0x0  }
0x14: {  	s2 =	sld [smem:$0x3F98];
	s0 =	simm.s32 @p1 $0x1  }
0x15: {  	[smem:$0x3FB5] =	sst s0;
	s0 =	simm.s32 @!p2 $0x0  }
0x16: {  	s3 =	sld [smem:$0x3FDB];
	s0 =	simm.s32 @p2 $0x1  }
0x17: {  	s4 =	simm.s32 $0x1BF5;
	[smem:$0x3FB7] =	sst s0  }
0x18: {  	s0 =	sld [smem:$0x3F9A];
	_ =	swait.ge [sflag:s4], $0x0  }
0x19: {  	s7 =	sld [smem:$0x3F9B]  }
0x1a: {  	s8 =	sadd.s32 $0xFFFFE003, lr  }
0x1b: {  	s9 =	sadd.s32 $0xFFFFFEF7, lr;
	s5 =	simm.s32 $0xFFFFFFFF;
	p2 =	slt.u32 s8, $0xFFFFF086  }
0x1c: {  	p1 =	slt.u32 s9, $0xF7A;
	s5 =	simm.s32 @!p2 $0x0  }
0x1d: {  	s5 =	simm.s32 @p1 $0x1;
	p0 =	seq.s32 s7, s2  }
0x1e: {  	s7 =	smul.u32 @!p0 $0xF7A, s2;
	p2 =	seq.s32 @!p0 s5, $0x0  }
0x1f: {  	s9 =	smul.u32 $0xF7A, s1;
	s8 =	simm.s32 @!p0 $0x1BF5;
	p2 =	por !p2, p0  }
0x20: {  	[sflag:s8] =	ssyncset.s32 @!p0 $0xFFFFF086;
	s6 =	sadd.s32 @!p0 s3, s7;
	s7 =	simm.s32 @!p0 $0x108  }
0x21: {  	s3 =	sadd.s32 s3, s9;
	s6 =	sadd.s32 @!p0 $0x88, s6;
	s7 =	simm.s32 @p2 $0x1082  }
0x22: {  	[simem:s7], [sflag:s8] =	dma.local @!p0 [hbm:s6], $0xF7A  }
0x23: {  	s9 =	sor.u32 $0xD0000000, s2;
	s6 =	simm.s32 $0x108;
	_ =	swait.ge @!p0 [sflag:s8], $0x0  }
0x24: {  	s3 =	sadd.s32 $0x88, s3;
	s6 =	simm.s32 @!p1 $0x1082;
	[sflag:s4] =	ssyncset.s32 $0xFFFFF086  }
0x25: {  	[simem:s6], [sflag:s4] =	dma.local [hbm:s3], $0xF7A  }
0x26: {  	[smem:$0x3F9B] =	sst s1;
	(tag) =	ssettag s2;
	_ =	strace s9  }
0x27: {  	s1 =	sld [smem:$0x3FAB]  }
0x28: {  	s2 =	sld [smem:$0x3FAC]  }
0x29: {  	s4 =	sld [smem:$0x3FAE]  }
0x2a: {  	p0 =	seq.s32 s5, $0x0;
	s5 =	sld [smem:$0x3FAF]  }
0x2b: {  	s6 =	sld [smem:$0x3FB0]  }
0x2c: {  	s7 =	sld [smem:$0x3FB1]  }
0x2d: {  	s3 =	simm.s32 $0x108;
	s8 =	sld [smem:$0x3FB2]  }
0x2e: {  	s3 =	simm.s32 @!p0 $0x1082;
	s9 =	sld [smem:$0x3FB3]  }
0x2f: {  	lr =	sadd.s32 s0, s3;
	s0 =	sld [smem:$0x3FAA]  }
0x30: {  	s3 =	sld [smem:$0x3FAD]  }
0x31: {  	[smem:$0x3FB6] =	sst s10  }
0x32: {  	s10 =	sld [smem:$0x3FB4];
	_ =	sdelay $0x3  }
0x33: {  	p0 =	seq.s32 s10, $0x1;
	s10 =	sld [smem:$0x3FB6];
	_ =	sdelay $0x3  }
0x34: {  	[smem:$0x3FB6] =	sst s10  }
0x35: {  	s10 =	sld [smem:$0x3FB5];
	_ =	sdelay $0x3  }
0x36: {  	p1 =	seq.s32 s10, $0x1;
	s10 =	sld [smem:$0x3FB6];
	_ =	sdelay $0x3  }
0x37: {  	[smem:$0x3FB6] =	sst s10  }
0x38: {  	s10 =	sld [smem:$0x3FB7]  }
0x39: {  	_ = 	snop;
	(pc) =	sbr.ind lr, $3  }
0x3a: {  	_ = 	snop  }
0x3b: {  	_ = 	snop  }
0x3c: {  	p2 =	seq.s32 s10, $0x1;
	s10 =	sld [smem:$0x3FB6]  }
0x3d: {  	_ =	shalt  }
0x3e: {  	_ =	shalt  }
0x3f: {  	_ =	shalt  }
0x40: {  	_ =	shalt  }
0x41: {  	_ =	shalt  }
0x42: {  	_ =	shalt  }
0x43: {  	_ =	shalt  }
0x44: {  	_ =	shalt  }
0x45: {  	_ =	shalt  }
0x46: {  	_ =	shalt  }
0x47: {  	_ =	shalt  }
0x48: {  	_ =	shalt  }
0x49: {  	_ =	shalt  }
0x4a: {  	_ =	shalt  }
0x4b: {  	_ =	shalt  }
0x4c: {  	_ =	shalt  }
0x4d: {  	_ =	shalt  }
0x4e: {  	_ =	shalt  }
0x4f: {  	_ =	shalt  }
0x50: {  	_ =	shalt  }
0x51: {  	_ =	shalt  }
0x52: {  	_ =	shalt  }
0x53: {  	_ =	shalt  }
0x54: {  	_ =	shalt  }
0x55: {  	_ =	shalt  }
0x56: {  	_ =	shalt  }
0x57: {  	_ =	shalt  }
0x58: {  	_ =	shalt  }
0x59: {  	_ =	shalt  }
0x5a: {  	_ =	shalt  }
0x5b: {  	_ =	shalt  }
0x5c: {  	_ =	shalt  }
0x5d: {  	_ =	shalt  }
0x5e: {  	_ =	shalt  }
0x5f: {  	_ =	shalt  }
0x60: {  	_ =	shalt  }
0x61: {  	_ =	shalt  }
0x62: {  	_ =	shalt  }
0x63: {  	_ =	shalt  }
0x64: {  	_ =	shalt  }
0x65: {  	_ =	shalt  }
0x66: {  	_ =	shalt  }
0x67: {  	_ =	shalt  }
0x68: {  	_ =	shalt  }
0x69: {  	_ =	shalt  }
0x6a: {  	_ =	shalt  }
0x6b: {  	_ =	shalt  }
0x6c: {  	_ =	shalt  }
0x6d: {  	_ =	shalt  }
0x6e: {  	_ =	shalt  }
0x6f: {  	_ =	shalt  }
0x70: {  	_ =	shalt  }
0x71: {  	_ =	shalt  }
0x72: {  	_ =	shalt  }
0x73: {  	_ =	shalt  }
0x74: {  	_ =	shalt  }
0x75: {  	_ =	shalt  }
0x76: {  	_ =	shalt  }
0x77: {  	_ =	shalt  }
0x78: {  	_ =	shalt  }
0x79: {  	_ =	shalt  }
0x7a: {  	_ =	shalt  }
0x7b: {  	_ =	shalt  }
0x7c: {  	_ =	shalt  }
0x7d: {  	_ =	shalt  }
0x7e: {  	_ =	shalt  }
0x7f: {  	_ =	shalt  }
0x80: {  	_ =	shalt  }
0x81: {  	_ =	shalt  }
0x82: {  	_ =	shalt  }
0x83: {  	_ =	shalt  }
0x84: {  	_ =	shalt  }
0x85: {  	_ =	shalt  }
0x86: {  	_ =	shalt  }
0x87: {  	_ =	shalt  }
.Lfunc_end0:
.L_simem_size_0:
called_computation.1_lowered:
.L_overlay_start_0:
0x88: {  	s2 =	sld [smem:$0x3FD9]  }
0x89: {  	s3 =	sld [smem:$0x3FFE];
	_ =	sdelay $0x1  }
0x8a: {  	s1 =	srdreg.scid  }
0x8b: {  	s0 =	sand.u32 $0x1, s1  }
0x8c: {  	s16 =	sshll.u32 s0, $0xA;
	s2 =	sadd.s32 s3, s2  }
0x8d: {  	s2 =	sadd.s32 s2, s16  }
0x8e: {  	[smem:$0x3FC2] =	sst s2  }
0x8f: {  	_ = 	snop  }
0x90: {  	(tm) =	ssettm $0x1  }
0x91: {  	s17 =	sld [smem:$0x3FFB];
	_ =	sdelay $0x3  }
0x92: {  	_ =	strace s17  }
0x93: {  	s2 =	sld [smem:$0x3FFC];
	_ =	sdelay $0x3  }
0x94: {  	_ =	strace s2  }
0x95: {  	s2 =	sld [smem:$0x3FFD];
	_ =	sdelay $0x3  }
0x96: {  	_ =	strace s2  }
0x97: {  	_ =	strace $0x8FFFFFFF  }
0x98: {  	s18 =	sld [smem:$0x3FDB];
	_ =	sdelay $0x1  }
0x99: {  	s19 =	simm.s32 $_scs_section_size  }
0x9a: {  	s4 =	simm.s32 $_size__tile_overlayer_lowered;
	s5 =	simm.s32 $_tile_overlayer_lowered  }
0x9b: {  	s22 =	simm.s32 $0x1BFF;
	s21 =	sshll.u32 s5, $0x1;
	s2 =	sadd.s32 s19, s18  }
0x9c: {  	s6 =	simm.s32 $0x0;
	s20 =	sshll.u32 s4, $0x1;
	s4 =	sadd.s32 s21, s2  }
0x9d: {  	[timem:s6], [sflag:s22] =	dma.local [hbm:s4], s20  }
0x9e: {  	_ =	swait.ge [sflag:s22], s20  }
0x9f: {  	s3 =	ssub.s32 $0x0, s20;
	[sflag:s22] =	ssyncset.done $0x0  }
0xa0: {  	[sflag:s22] =	ssyncadd.s32 s3;
	_ =	sdelay $0x1  }
0xa1: {  	s23 =	simm.s32 $0x1B8B  }
0xa2: {  	_ =	swait.ge [sflag:s23], $0x1  }
0xa3: {  	[sflag:s23] =	ssyncset.done $0x0  }
0xa4: {  	s25 =	simm.s32 $0x1B8E;
	s24 =	sld [smem:$0x3FFE];
	[sflag:s23] =	ssyncadd.s32 $0xFFFFFFFF  }
0xa5: {  	s26 =	simm.s32 $execute0_lowered;
	[smem:$0x3FD2] =	sst s25  }
0xa6: {  	s4 =	sshll.u32 s26, $0x1;
	_ =	strace $0x80000049;
	[dreg:$0x1] =	wrdreg $0xFFFFFFFF  }
0xa7: {  	s28 =	simm.s32 $_size_execute0_lowered;
	s2 =	sadd.s32 s2, s4;
	[dreg:$0x0] =	wrdreg $0x0  }
0xa8: {  	s4 =	sshll.u32 s28, $0x1;
	[dreg:$0x2] =	wrdreg s2  }
0xa9: {  	[dreg:$0x3] =	wrdreg s4  }
0xaa: {  	[dreg:$0x4] =	wrdreg $0xC0  }
0xab: {  	_ =	task [dreg:s6], $0x5FFFF  }
0xac: {  	[dreg:$0x1] =	wrdreg $0xFFFFFFFF  }
0xad: {  	[dreg:$0x0] =	wrdreg $0x60  }
0xae: {  	[dreg:$0x2] =	wrdreg s24  }
0xaf: {  	[dreg:$0x3] =	wrdreg $0x0  }
0xb0: {  	[dreg:$0x4] =	wrdreg $0x9  }
0xb1: {  	_ =	task.clear_ibuf [dreg:s6], $0x5FFFF;
	_ =	strace $0x90000049  }
0xb2: {  	s29 =	simm.s32 $0x9;
	_ =	strace $0x8000004B  }
0xb3: {  	_ =	swait.ge [sflag:s29], $0x1  }
0xb4: {  	[sflag:s29] =	ssyncadd.s32 $0xFFFFFFFF  }
0xb5: {  	_ =	strace $0x9000004B  }
0xb6: {  	_ =	sfence  }
0xb7: {  	s30 =	sld [smem:$0x0];
	_ =	sdelay $0x2  }
0xb8: {  	s31 =	sshll.u32 s1, $0xD;
	s1 =	sshrl.u32 s1, $0x2  }
0xb9: {  	s3 =	sand.u32 $0x4000, s31;
	s1 =	sadd.s32 s1, s30  }
0xba: {  	s0 =	sor.u32 s3, s0;
	s1 =	sshll.u32 s1, $0x11  }
0xbb: {  	s0 =	sor.u32 s1, s0  }
0xbc: {  	s0 =	sadd.s32 $0x8F2B, s0  }
0xbd: {  	[sflag:s0] =	ssyncadd.remote.s32 $0x1  }
0xbe: {  	_ =	sfence.sel $0xFFFF  }
0xbf: {  	[dreg:$0x0] =	wrdreg $0xFFFFFFFF;
	(pc) =	sbr.abs _section_cstart, $3  }
0xc0: {  	[dreg:$0x1] =	wrdreg $0xFFFFFFFF  }
0xc1: {  	_ =	task.clear_ibuf [dreg:s6], $0x2FFFF;
	_ =	strace $0x9FFFFFFF  }
0xc2: {  	(tm) =	ssettm $0x7FFFFFFF  }
0xc3: {  	_ =	shalt  }
tec
execute0_lowered:
.L_overlay_start_1:
0x0: {  	(tag) =	ssettag $0x1  }
0x1: {  	s0 =	rddreg [dreg:$0x0];
	s6 =	stileid.u32  }
0x2: {  	s1 =	srdreg.scid;
	s2 =	rddreg [dreg:$0x1];
	s3 =	simm.s32 $0x0  }
0x3: {  	s16 =	simm.s32 $0xF300;
	s17 =	simm.s32 $0x5;
	s18 =	simm.s32 $0xA000  }
0x4: {  	s19 =	simm.s32 $0x80;
	s20 =	simm.s32 $0xF200;
	s4 =	smul.u32 $0xA40, s6  }
0x5: {  	s21 =	simm.s32 $0x11300;
	s28 =	simm.s32 $0x4;
	s9 =	smul.u32 $0xA000, s6  }
0x6: {  	s1 =	sand.u32 $0x1, s1;
	[smem:$0x7FF] =	sst s3;
	s6 =	smul.u32 $0x28000, s6  }
0x7: {  	s30 =	simm.s32 $0x0;
	s5 =	smul.u32 $0xA0000, s1;
	_ =	strace $0x8000004A  }
0x8: {  	s22 =	smul.u32 $0x13880, s1;
	s1 =	ssub.s32 $0x2, s1;
	s15 =	sadd.s32 s4, s0  }
0x9: {  	s24 =	sshrl.u32 s1, $0x1;
	s25 =	sshrl.u32 s6, $0x2;
	s31 =	sadd.s32 s9, s2  }
0xa: {  	s5 =	sadd.s32 s9, s5;
	s7 =	sadd.s32 s22, s0;
	s1 =	ssub.s32 s1, s24  }
0xb: {  	s4 =	sadd.s32 s25, s2;
	s26 =	sadd.s32 $0xB600, s15;
	s29 =	sadd.s32 $0x1200, s15  }
0xc: {  	s14 =	sadd.s32 $0x1C30, s15;
	s15 =	sadd.s32 $0x1220, s15;
	s22 =	simm.s32 $0xF280  }
0xd: {  	s24 =	simm.s32 $0x3;
	s25 =	sshrl.u32 s31, $0x3;
	[dreg:$0x3] =	wrdreg s26  }
0xe: {  	s23 =	sshrl.u32 s5, $0x3;
	s6 =	sadd.s32 $0x63C00, s7;
	[dreg:$0x4] =	wrdreg s29  }
0xf: {  	s9 =	smax.u32 s1, $0x1;
	s10 =	sadd.s32 $0x2000, s4;
	s11 =	sadd.s32 $0x4000, s4  }
0x10: {  	s12 =	sadd.s32 $0x6000, s4;
	s13 =	sadd.s32 $0x8000, s4;
	s0 =	sadd.s32 s23, s0  }
0x11: {  	v0 =	vimm.f32 $0.0e+00;
	s26 =	simm.s32 $0x2;
	s23 =	simm.s32 $0x1;
	s8 =	sadd.s32 $0x15A00, s0  }
.LBB2_1:
0x12: {  	s31 =	simm.s32 $0x100;
	s1 =	simm.s32 $0x0  }
.LBB2_2:
0x13: {  	p0 =	sne.s32 s31, $0x7F00;
	[tilespmem:s1+$0xF330] =	vst v0;
	s0 =	smov.u32 s31;
	s31 =	sadd.s32 $0x100, s31  }
.Ltmp0:
0x14: {  	[tilespmem:s1+$0xF320] =	vst v0;
	(pc) =	sbr.rel @p0 .LBB2_2-.Ltmp0, $3  }
0x15: {  	[tilespmem:s1+$0xF300] =	vst v0  }
0x16: {  	[tilespmem:s1+$0xF310] =	vst v0;
	_ =	sdelay $0x1  }
0x17: {  	s1 =	sshra.s32 s0, $0x2  }
0x18: {  	[tilespmem:s1+$0xF330] =	vst v0  }
0x19: {  	[tilespmem:s1+$0xF320] =	vst v0  }
0x1a: {  	[tilespmem:s1+$0xF300] =	vst v0  }
0x1b: {  	[tilespmem:s1+$0xF310] =	vst v0  }
0x1c: {  	[spmem:s4] =	stream.linear.scatter [tilespmem:s16], [sflag:$0x5], $0x2000, $0x38;
	[tilespmem:$0x13300] =	vst v63  }
0x1d: {  	_ =	swait.ge [sflag:s17], $0x2000  }
0x1e: {  	[sflag:s17] =	ssyncset.done $0x0  }
0x1f: {  	[sflag:s17] =	ssyncadd.s32 $0xFFFFE000  }
0x20: {  	[spmem:s10] =	stream.linear.scatter [tilespmem:s16], [sflag:$0x5], $0x2000, $0x38;
	[tilespmem:$0x13300] =	vst v63  }
0x21: {  	_ =	swait.ge [sflag:s17], $0x2000  }
0x22: {  	[sflag:s17] =	ssyncset.done $0x0  }
0x23: {  	[sflag:s17] =	ssyncadd.s32 $0xFFFFE000  }
0x24: {  	[spmem:s11] =	stream.linear.scatter [tilespmem:s16], [sflag:$0x5], $0x2000, $0x38;
	[tilespmem:$0x13300] =	vst v63  }
0x25: {  	_ =	swait.ge [sflag:s17], $0x2000  }
0x26: {  	[sflag:s17] =	ssyncset.done $0x0  }
0x27: {  	[sflag:s17] =	ssyncadd.s32 $0xFFFFE000  }
0x28: {  	[spmem:s12] =	stream.linear.scatter [tilespmem:s16], [sflag:$0x5], $0x2000, $0x38;
	[tilespmem:$0x13300] =	vst v63  }
0x29: {  	_ =	swait.ge [sflag:s17], $0x2000  }
0x2a: {  	[sflag:s17] =	ssyncset.done $0x0  }
0x2b: {  	[sflag:s17] =	ssyncadd.s32 $0xFFFFE000  }
0x2c: {  	[spmem:s13] =	stream.linear.scatter [tilespmem:s16], [sflag:$0x5], $0x2000, $0x38;
	[tilespmem:$0x13300] =	vst v63  }
0x2d: {  	_ =	swait.ge [sflag:s17], $0x2000  }
0x2e: {  	[sflag:s17] =	ssyncset.done $0x0  }
0x2f: {  	s0 =	rddreg [dreg:$0x3];
	[sflag:s17] =	ssyncadd.s32 $0xFFFFE000  }
0x30: {  	[tilespmem:s18], [sflag:$0x5] =	stream.linear.gather [hbm4b:s0+s3], $0x5200, $0x38;
	[tilespmem:$0x13300] =	vst v63  }
0x31: {  	_ =	swait.ge [sflag:s17], $0x5200  }
0x32: {  	[sflag:s17] =	ssyncset.done $0x0  }
0x33: {  	[sflag:s17] =	ssyncadd.s32 $0xFFFFAE00  }
0x34: {  	[bflag:$0x0] =	sbarrier.arrive $0xFFFF  }
0x35: {  	[tilespmem:s16], [sflag:$0x1] =	stream.indirect.gather [hbm4b:s6+s19], $0x40, s18, s19, $0xb8;
	[tilespmem:$0x13300] =	vst v63  }
0x36: {  	s1 =	rddreg [dreg:$0x4]  }
0x37: {  	[tilespmem:s20], [sflag:$0x3] =	stream.linear.gather [hbm4b:s1+s3], $0x80, $0x38;
	[tilespmem:$0x13300] =	vst v63  }
0x38: {  	s5 =	simm.s32 $0xA080  }
0x39: {  	[tilespmem:s21], [sflag:$0x2] =	stream.indirect.gather [hbm4b:s6+s19], $0x40, s5, s19, $0xb8;
	[tilespmem:$0x13300] =	vst v63  }
0x3a: {  	s7 =	sadd.s32 $0xFFFFFFF0, s15  }
0x3b: {  	[tilespmem:s22], [sflag:$0x4] =	stream.linear.gather [hbm4b:s7+s3], $0x80, $0x38;
	[tilespmem:$0x13300] =	vst v63  }
0x3c: {  	_ =	swait.ge [sflag:s23], $0x2000  }
0x3d: {  	[sflag:s23] =	ssyncset.done $0x0  }
0x3e: {  	[sflag:s23] =	ssyncadd.s32 $0xFFFFE000  }
0x3f: {  	_ =	swait.ge [sflag:s24], $0x80  }
0x40: {  	[sflag:s24] =	ssyncset.done $0x0  }
0x41: {  	[sflag:s24] =	ssyncadd.s32 $0xFFFFFF80  }
0x42: {  	[spmem:s2] =	stream.indirect.scatter.add.f32 [tilespmem:s16], [sflag:$0x5], $0x40, s20, s19, $0xb8;
	[tilespmem:$0x13300] =	vst v63  }
0x43: {  	_ =	swait.ge [sflag:s17], $0x2000  }
0x44: {  	[sflag:s17] =	ssyncset.done $0x0  }
0x45: {  	s29 =	simm.s32 $0xA100;
	[sflag:s17] =	ssyncadd.s32 $0xFFFFE000  }
0x46: {  	[tilespmem:s16], [sflag:$0x1] =	stream.indirect.gather [hbm4b:s6+s19], $0x40, s29, s19, $0xb8;
	[tilespmem:$0x13300] =	vst v63  }
0x47: {  	_ = 	snop  }
0x48: {  	[tilespmem:s20], [sflag:$0x3] =	stream.linear.gather [hbm4b:s15+s3], $0x80, $0x38;
	[tilespmem:$0x13300] =	vst v63  }
0x49: {  	_ =	swait.ge [sflag:s26], $0x2000  }
0x4a: {  	[sflag:s26] =	ssyncset.done $0x0  }
0x4b: {  	[sflag:s26] =	ssyncadd.s32 $0xFFFFE000  }
0x4c: {  	_ =	swait.ge [sflag:s28], $0x80  }
0x4d: {  	[sflag:s28] =	ssyncset.done $0x0  }
0x4e: {  	[sflag:s28] =	ssyncadd.s32 $0xFFFFFF80  }
0x4f: {  	[spmem:s2] =	stream.indirect.scatter.add.f32 [tilespmem:s21], [sflag:$0x5], $0x40, s22, s19, $0xb8;
	[tilespmem:$0x13300] =	vst v63  }
0x50: {  	s31 =	sadd.s32 $0x20, s15;
	_ =	swait.ge [sflag:s17], $0x2000  }
0x51: {  	s0 =	simm.s32 $0xFFFEC400;
	s1 =	simm.s32 $0xFFFFB000;
	[sflag:s17] =	ssyncset.done $0x0  }
.LBB2_4:
0x52: {  	s29 =	sadd.s32 $0xF180, s1  }
0x53: {  	[sflag:s17] =	ssyncadd.s32 $0xFFFFE000;
	s5 =	smov.u32 s0;
	s7 =	sadd.s32 $0x400, s0  }
0x54: {  	[tilespmem:s21], [sflag:$0x2] =	stream.indirect.gather [hbm4b:s6+s19], $0x40, s29, s19, $0xb8;
	[tilespmem:$0x13300] =	vst v63  }
0x55: {  	p0 =	sne.s32 s0, $0xFFFFFC00;
	s0 =	sadd.s32 $0xFFFFFFF0, s31  }
0x56: {  	[tilespmem:s22], [sflag:$0x4] =	stream.linear.gather [hbm4b:s0+s3], $0x80, $0x38;
	[tilespmem:$0x13300] =	vst v63  }
0x57: {  	_ =	swait.ge [sflag:s23], $0x2000  }
0x58: {  	[sflag:s23] =	ssyncset.done $0x0  }
0x59: {  	[sflag:s23] =	ssyncadd.s32 $0xFFFFE000  }
0x5a: {  	_ =	swait.ge [sflag:s24], $0x80  }
0x5b: {  	[sflag:s24] =	ssyncset.done $0x0  }
0x5c: {  	[sflag:s24] =	ssyncadd.s32 $0xFFFFFF80  }
0x5d: {  	[spmem:s2] =	stream.indirect.scatter.add.f32 [tilespmem:s16], [sflag:$0x5], $0x40, s20, s19, $0xb8;
	[tilespmem:$0x13300] =	vst v63  }
0x5e: {  	_ =	swait.ge [sflag:s17], $0x2000  }
0x5f: {  	[sflag:s17] =	ssyncset.done $0x0  }
0x60: {  	s0 =	sadd.s32 $0xF200, s1;
	[sflag:s17] =	ssyncadd.s32 $0xFFFFE000  }
0x61: {  	[tilespmem:s16], [sflag:$0x1] =	stream.indirect.gather [hbm4b:s6+s19], $0x40, s0, s19, $0xb8;
	[tilespmem:$0x13300] =	vst v63  }
0x62: {  	_ = 	snop  }
0x63: {  	[tilespmem:s20], [sflag:$0x3] =	stream.linear.gather [hbm4b:s31+s3], $0x80, $0x38;
	[tilespmem:$0x13300] =	vst v63  }
0x64: {  	_ =	swait.ge [sflag:s26], $0x2000  }
0x65: {  	[sflag:s26] =	ssyncset.done $0x0  }
0x66: {  	[sflag:s26] =	ssyncadd.s32 $0xFFFFE000  }
0x67: {  	_ =	swait.ge [sflag:s28], $0x80  }
.Ltmp1:
0x68: {  	[sflag:s28] =	ssyncset.done $0x0;
	(pc) =	sbr.rel @p0 .LBB2_4-.Ltmp1, $4  }
0x69: {  	[sflag:s28] =	ssyncadd.s32 $0xFFFFFF80  }
0x6a: {  	[spmem:s2] =	stream.indirect.scatter.add.f32 [tilespmem:s21], [sflag:$0x5], $0x40, s22, s19, $0xb8;
	[tilespmem:$0x13300] =	vst v63  }
0x6b: {  	s1 =	sshra.s32 s5, $0x2;
	_ =	swait.ge [sflag:s17], $0x2000  }
0x6c: {  	s0 =	smov.u32 s7;
	s31 =	sadd.s32 $0x20, s31;
	[sflag:s17] =	ssyncset.done $0x0  }
0x6d: {  	s0 =	sadd.s32 $0xF180, s1;
	[sflag:s17] =	ssyncadd.s32 $0xFFFFE000  }
0x6e: {  	[tilespmem:s21], [sflag:$0x2] =	stream.indirect.gather [hbm4b:s6+s19], $0x40, s0, s19, $0xb8;
	[tilespmem:$0x13300] =	vst v63  }
0x6f: {  	s5 =	sadd.s32 $0xFFFFFFF0, s31  }
0x70: {  	[tilespmem:s22], [sflag:$0x4] =	stream.linear.gather [hbm4b:s5+s3], $0x80, $0x38;
	[tilespmem:$0x13300] =	vst v63  }
0x71: {  	_ =	swait.ge [sflag:s23], $0x2000  }
0x72: {  	[sflag:s23] =	ssyncset.done $0x0  }
0x73: {  	[sflag:s23] =	ssyncadd.s32 $0xFFFFE000  }
0x74: {  	_ =	swait.ge [sflag:s24], $0x80  }
0x75: {  	[sflag:s24] =	ssyncset.done $0x0  }
0x76: {  	[sflag:s24] =	ssyncadd.s32 $0xFFFFFF80  }
0x77: {  	[spmem:s2] =	stream.indirect.scatter.add.f32 [tilespmem:s16], [sflag:$0x5], $0x40, s20, s19, $0xb8;
	[tilespmem:$0x13300] =	vst v63  }
0x78: {  	_ =	swait.ge [sflag:s17], $0x2000  }
0x79: {  	[sflag:s17] =	ssyncset.done $0x0  }
0x7a: {  	s7 =	sadd.s32 $0xF200, s1;
	[sflag:s17] =	ssyncadd.s32 $0xFFFFE000  }
0x7b: {  	[tilespmem:s16], [sflag:$0x1] =	stream.indirect.gather [hbm4b:s6+s19], $0x40, s7, s19, $0xb8;
	[tilespmem:$0x13300] =	vst v63  }
0x7c: {  	_ = 	snop  }
0x7d: {  	[tilespmem:s20], [sflag:$0x3] =	stream.linear.gather [hbm4b:s31+s3], $0x80, $0x38;
	[tilespmem:$0x13300] =	vst v63  }
0x7e: {  	_ =	swait.ge [sflag:s26], $0x2000  }
0x7f: {  	[sflag:s26] =	ssyncset.done $0x0  }
0x80: {  	[sflag:s26] =	ssyncadd.s32 $0xFFFFE000  }
0x81: {  	_ =	swait.ge [sflag:s28], $0x80  }
0x82: {  	[sflag:s28] =	ssyncset.done $0x0  }
0x83: {  	[sflag:s28] =	ssyncadd.s32 $0xFFFFFF80  }
0x84: {  	[spmem:s2] =	stream.indirect.scatter.add.f32 [tilespmem:s21], [sflag:$0x5], $0x40, s22, s19, $0xb8;
	[tilespmem:$0x13300] =	vst v63  }
0x85: {  	_ =	swait.ge [sflag:s17], $0x2000  }
0x86: {  	[sflag:s17] =	ssyncset.done $0x0  }
0x87: {  	s29 =	simm.s32 $0xF180;
	[sflag:s17] =	ssyncadd.s32 $0xFFFFE000  }
0x88: {  	[tilespmem:s21], [sflag:$0x2] =	stream.indirect.gather [hbm4b:s6+s19], $0x40, s29, s19, $0xb8;
	[tilespmem:$0x13300] =	vst v63  }
0x89: {  	_ = 	snop  }
0x8a: {  	[tilespmem:s22], [sflag:$0x4] =	stream.linear.gather [hbm4b:s14+s3], $0x80, $0x38;
	[tilespmem:$0x13300] =	vst v63  }
0x8b: {  	_ =	swait.ge [sflag:s23], $0x2000  }
0x8c: {  	[sflag:s23] =	ssyncset.done $0x0  }
0x8d: {  	[sflag:s23] =	ssyncadd.s32 $0xFFFFE000  }
0x8e: {  	_ =	swait.ge [sflag:s24], $0x80  }
0x8f: {  	[sflag:s24] =	ssyncset.done $0x0  }
0x90: {  	[sflag:s24] =	ssyncadd.s32 $0xFFFFFF80  }
0x91: {  	[spmem:s2] =	stream.indirect.scatter.add.f32 [tilespmem:s16], [sflag:$0x5], $0x40, s20, s19, $0xb8;
	[tilespmem:$0x13300] =	vst v63  }
0x92: {  	_ =	swait.ge [sflag:s17], $0x2000  }
0x93: {  	[sflag:s17] =	ssyncset.done $0x0  }
0x94: {  	[sflag:s17] =	ssyncadd.s32 $0xFFFFE000  }
0x95: {  	_ =	swait.ge [sflag:s26], $0x2000  }
0x96: {  	[sflag:s26] =	ssyncset.done $0x0  }
0x97: {  	[sflag:s26] =	ssyncadd.s32 $0xFFFFE000  }
0x98: {  	_ =	swait.ge [sflag:s28], $0x80  }
0x99: {  	[sflag:s28] =	ssyncset.done $0x0  }
0x9a: {  	[sflag:s28] =	ssyncadd.s32 $0xFFFFFF80  }
0x9b: {  	[spmem:s2] =	stream.indirect.scatter.add.f32 [tilespmem:s21], [sflag:$0x5], $0x40, s22, s19, $0xb8;
	[tilespmem:$0x13300] =	vst v63  }
0x9c: {  	_ =	swait.ge [sflag:s17], $0x2000  }
0x9d: {  	s30 =	sadd.s32 $0x1, s30;
	s31 =	stileid.u32;
	[sflag:s17] =	ssyncset.done $0x0  }
0x9e: {  	p0 =	sne.s32 s30, s9;
	s0 =	sshll.u32 s31, $0x6;
	[sflag:s17] =	ssyncadd.s32 $0xFFFFE000  }
.Ltmp2:
0x9f: {  	s0 =	sor.u32 $0x1C05, s0;
	[bflag:$0x0] =	sbarrier.arrive $0xFFFF;
	(pc) =	sbr.rel @p0 .LBB2_1-.Ltmp2, $4  }
0xa0: {  	[hbm:s8], [sflag:s0] =	dma.local [spmem:s25], $0x1400  }
0xa1: {  	_ =	swait.ge [sflag:s17], $0x1400  }
0xa2: {  	[sflag:s17] =	ssyncset.done $0x0  }
0xa3: {  	[sflag:s17] =	ssyncadd.s32 $0xFFFFEC00  }
0xa4: {  	_ =	sfence.sel $0x180000  }
0xa5: {  	[bflag:$0x0] =	sbarrier.arrive $0xFFFF  }
0xa6: {  	_ =	strace $0x9000004A  }
0xa7: {  	s0 =	stileid.u32;
	[bflag:$0x2] =	sbarrier.arrive $0xFFFF  }
0xa8: {  	p0 =	sne.s32 s0, $0x0;
	s0 =	rddreg [dreg:$0x2]  }
0xa9: {  	s0 =	sadd.s32 @!p0 $0x100000, s0  }
0xaa: {  	[sflag:s0] =	ssyncadd.tile.s32 @!p0 $0x1;
	_ =	shalt  }
.Lfunc_end2:
_tile_overlayer_lowered:
.L_overlay_start_2:
0xab: {  	(tag) =	ssettag $0x2  }
0xac: {  	s0 =	rddreg [dreg:$0x0];
	s2 =	stileid.u32  }
0xad: {  	s1 =	rddreg [dreg:$0x1];
	p0 =	sne.s32 s2, $0x0  }
0xae: {  	s3 =	rddreg [dreg:$0x2];
	[bflag:$0x3] =	sbarrier.arrive $0xFFFF;
	s2 =	simm.s32 @!p0 $0x1C05  }
0xaf: {  	[timem:s3], [sflag:s2] =	dma.local @!p0 [hbm:s0], s1  }
0xb0: {  	s0 =	simm.s32 @!p0 $0x5  }
0xb1: {  	_ =	swait.ge @!p0 [sflag:s0], s1  }
0xb2: {  	s1 =	ssub.s32 @!p0 $0x0, s1;
	[sflag:s0] =	ssyncset.done @!p0 $0x0  }
0xb3: {  	[sflag:s0] =	ssyncadd.s32 @!p0 s1  }
0xb4: {  	[bflag:$0x3] =	sbarrier.arrive $0xFFFF  }
0xb5: {  	_ =	shalt  }

// kernel: kernel.15.cloned.1.call-start
scs
__scs_entry_jumppad:
0x0: {  	(pc) =	sbr.rel $0x88, $3  }
0x1: {  	(tag) =	ssettag $0x0;
	lr =	simm.s32 $0x1  }
0x2: {  	[smem:$0x3F9B] =	sst lr;
	_ =	strace $0xD0000000  }
0x3: {  	_ = 	snop  }
0x4: {  	_ = 	snop  }
0x5: {  	_ = 	snop  }
0x6: {  	_ = 	snop  }
0x7: {  	_ = 	snop  }
__scs_overlays_trampoline_lowered:
0x8: {  	[smem:$0x3FAA] =	sst s0  }
0x9: {  	[smem:$0x3FAB] =	sst s1  }
0xa: {  	[smem:$0x3FAC] =	sst s2  }
0xb: {  	[smem:$0x3FAD] =	sst s3  }
0xc: {  	[smem:$0x3FAE] =	sst s4  }
0xd: {  	[smem:$0x3FAF] =	sst s5  }
0xe: {  	[smem:$0x3FB0] =	sst s6  }
0xf: {  	[smem:$0x3FB1] =	sst s7  }
0x10: {  	[smem:$0x3FB2] =	sst s8  }
0x11: {  	[smem:$0x3FB3] =	sst s9;
	s0 =	simm.s32 @!p0 $0x0  }
0x12: {  	s1 =	sld [smem:$0x3F99];
	s0 =	simm.s32 @p0 $0x1  }
0x13: {  	[smem:$0x3FB4] =	sst s0;
	s0 =	simm.s32 @!p1 $0x0  }
0x14: {  	s2 =	sld [smem:$0x3F98];
	s0 =	simm.s32 @p1 $0x1  }
0x15: {  	[smem:$0x3FB5] =	sst s0;
	s0 =	simm.s32 @!p2 $0x0  }
0x16: {  	s3 =	sld [smem:$0x3FDB];
	s0 =	simm.s32 @p2 $0x1  }
0x17: {  	s4 =	simm.s32 $0x1BF5;
	[smem:$0x3FB7] =	sst s0  }
0x18: {  	s0 =	sld [smem:$0x3F9A];
	_ =	swait.ge [sflag:s4], $0x0  }
0x19: {  	s7 =	sld [smem:$0x3F9B]  }
0x1a: {  	s8 =	sadd.s32 $0xFFFFE003, lr  }
0x1b: {  	s9 =	sadd.s32 $0xFFFFFEF7, lr;
	s5 =	simm.s32 $0xFFFFFFFF;
	p2 =	slt.u32 s8, $0xFFFFF086  }
0x1c: {  	p1 =	slt.u32 s9, $0xF7A;
	s5 =	simm.s32 @!p2 $0x0  }
0x1d: {  	s5 =	simm.s32 @p1 $0x1;
	p0 =	seq.s32 s7, s2  }
0x1e: {  	s7 =	smul.u32 @!p0 $0xF7A, s2;
	p2 =	seq.s32 @!p0 s5, $0x0  }
0x1f: {  	s9 =	smul.u32 $0xF7A, s1;
	s8 =	simm.s32 @!p0 $0x1BF5;
	p2 =	por !p2, p0  }
0x20: {  	[sflag:s8] =	ssyncset.s32 @!p0 $0xFFFFF086;
	s6 =	sadd.s32 @!p0 s3, s7;
	s7 =	simm.s32 @!p0 $0x108  }
0x21: {  	s3 =	sadd.s32 s3, s9;
	s6 =	sadd.s32 @!p0 $0x88, s6;
	s7 =	simm.s32 @p2 $0x1082  }
0x22: {  	[simem:s7], [sflag:s8] =	dma.local @!p0 [hbm:s6], $0xF7A  }
0x23: {  	s9 =	sor.u32 $0xD0000000, s2;
	s6 =	simm.s32 $0x108;
	_ =	swait.ge @!p0 [sflag:s8], $0x0  }
0x24: {  	s3 =	sadd.s32 $0x88, s3;
	s6 =	simm.s32 @!p1 $0x1082;
	[sflag:s4] =	ssyncset.s32 $0xFFFFF086  }
0x25: {  	[simem:s6], [sflag:s4] =	dma.local [hbm:s3], $0xF7A  }
0x26: {  	[smem:$0x3F9B] =	sst s1;
	(tag) =	ssettag s2;
	_ =	strace s9  }
0x27: {  	s1 =	sld [smem:$0x3FAB]  }
0x28: {  	s2 =	sld [smem:$0x3FAC]  }
0x29: {  	s4 =	sld [smem:$0x3FAE]  }
0x2a: {  	p0 =	seq.s32 s5, $0x0;
	s5 =	sld [smem:$0x3FAF]  }
0x2b: {  	s6 =	sld [smem:$0x3FB0]  }
0x2c: {  	s7 =	sld [smem:$0x3FB1]  }
0x2d: {  	s3 =	simm.s32 $0x108;
	s8 =	sld [smem:$0x3FB2]  }
0x2e: {  	s3 =	simm.s32 @!p0 $0x1082;
	s9 =	sld [smem:$0x3FB3]  }
0x2f: {  	lr =	sadd.s32 s0, s3;
	s0 =	sld [smem:$0x3FAA]  }
0x30: {  	s3 =	sld [smem:$0x3FAD]  }
0x31: {  	[smem:$0x3FB6] =	sst s10  }
0x32: {  	s10 =	sld [smem:$0x3FB4];
	_ =	sdelay $0x3  }
0x33: {  	p0 =	seq.s32 s10, $0x1;
	s10 =	sld [smem:$0x3FB6];
	_ =	sdelay $0x3  }
0x34: {  	[smem:$0x3FB6] =	sst s10  }
0x35: {  	s10 =	sld [smem:$0x3FB5];
	_ =	sdelay $0x3  }
0x36: {  	p1 =	seq.s32 s10, $0x1;
	s10 =	sld [smem:$0x3FB6];
	_ =	sdelay $0x3  }
0x37: {  	[smem:$0x3FB6] =	sst s10  }
0x38: {  	s10 =	sld [smem:$0x3FB7]  }
0x39: {  	_ = 	snop;
	(pc) =	sbr.ind lr, $3  }
0x3a: {  	_ = 	snop  }
0x3b: {  	_ = 	snop  }
0x3c: {  	p2 =	seq.s32 s10, $0x1;
	s10 =	sld [smem:$0x3FB6]  }
0x3d: {  	_ =	shalt  }
0x3e: {  	_ =	shalt  }
0x3f: {  	_ =	shalt  }
0x40: {  	_ =	shalt  }
0x41: {  	_ =	shalt  }
0x42: {  	_ =	shalt  }
0x43: {  	_ =	shalt  }
0x44: {  	_ =	shalt  }
0x45: {  	_ =	shalt  }
0x46: {  	_ =	shalt  }
0x47: {  	_ =	shalt  }
0x48: {  	_ =	shalt  }
0x49: {  	_ =	shalt  }
0x4a: {  	_ =	shalt  }
0x4b: {  	_ =	shalt  }
0x4c: {  	_ =	shalt  }
0x4d: {  	_ =	shalt  }
0x4e: {  	_ =	shalt  }
0x4f: {  	_ =	shalt  }
0x50: {  	_ =	shalt  }
0x51: {  	_ =	shalt  }
0x52: {  	_ =	shalt  }
0x53: {  	_ =	shalt  }
0x54: {  	_ =	shalt  }
0x55: {  	_ =	shalt  }
0x56: {  	_ =	shalt  }
0x57: {  	_ =	shalt  }
0x58: {  	_ =	shalt  }
0x59: {  	_ =	shalt  }
0x5a: {  	_ =	shalt  }
0x5b: {  	_ =	shalt  }
0x5c: {  	_ =	shalt  }
0x5d: {  	_ =	shalt  }
0x5e: {  	_ =	shalt  }
0x5f: {  	_ =	shalt  }
0x60: {  	_ =	shalt  }
0x61: {  	_ =	shalt  }
0x62: {  	_ =	shalt  }
0x63: {  	_ =	shalt  }
0x64: {  	_ =	shalt  }
0x65: {  	_ =	shalt  }
0x66: {  	_ =	shalt  }
0x67: {  	_ =	shalt  }
0x68: {  	_ =	shalt  }
0x69: {  	_ =	shalt  }
0x6a: {  	_ =	shalt  }
0x6b: {  	_ =	shalt  }
0x6c: {  	_ =	shalt  }
0x6d: {  	_ =	shalt  }
0x6e: {  	_ =	shalt  }
0x6f: {  	_ =	shalt  }
0x70: {  	_ =	shalt  }
0x71: {  	_ =	shalt  }
0x72: {  	_ =	shalt  }
0x73: {  	_ =	shalt  }
0x74: {  	_ =	shalt  }
0x75: {  	_ =	shalt  }
0x76: {  	_ =	shalt  }
0x77: {  	_ =	shalt  }
0x78: {  	_ =	shalt  }
0x79: {  	_ =	shalt  }
0x7a: {  	_ =	shalt  }
0x7b: {  	_ =	shalt  }
0x7c: {  	_ =	shalt  }
0x7d: {  	_ =	shalt  }
0x7e: {  	_ =	shalt  }
0x7f: {  	_ =	shalt  }
0x80: {  	_ =	shalt  }
0x81: {  	_ =	shalt  }
0x82: {  	_ =	shalt  }
0x83: {  	_ =	shalt  }
0x84: {  	_ =	shalt  }
0x85: {  	_ =	shalt  }
0x86: {  	_ =	shalt  }
0x87: {  	_ =	shalt  }
.Lfunc_end0:
.L_simem_size_0:
called_computation.2_lowered:
.L_overlay_start_0:
0x88: {  	s2 =	sld [smem:$0x3FD9]  }
0x89: {  	s3 =	sld [smem:$0x3FFE];
	_ =	sdelay $0x1  }
0x8a: {  	s1 =	srdreg.scid  }
0x8b: {  	s0 =	sand.u32 $0x1, s1  }
0x8c: {  	s17 =	sshll.u32 s0, $0xA;
	s2 =	sadd.s32 s3, s2  }
0x8d: {  	s2 =	sadd.s32 s2, s17  }
0x8e: {  	[smem:$0x3FC2] =	sst s2  }
0x8f: {  	_ = 	snop  }
0x90: {  	s2 =	sld [smem:$0x3FD0];
	(tm) =	ssettm $0x1  }
0x91: {  	s18 =	sld [smem:$0x3FFB];
	_ =	sdelay $0x3  }
0x92: {  	_ =	strace s18  }
0x93: {  	s3 =	sld [smem:$0x3FFC];
	_ =	sdelay $0x3  }
0x94: {  	_ =	strace s3  }
0x95: {  	s3 =	sld [smem:$0x3FFD];
	_ =	sdelay $0x3  }
0x96: {  	_ =	strace s3  }
0x97: {  	_ =	strace $0x8FFFFFFF  }
0x98: {  	s19 =	sld [smem:$0x3FDB];
	_ =	sdelay $0x1  }
0x99: {  	s4 =	simm.s32 $_scs_section_size  }
0x9a: {  	s5 =	simm.s32 $_size__tile_overlayer_lowered;
	s6 =	simm.s32 $_tile_overlayer_lowered  }
0x9b: {  	s22 =	simm.s32 $0x1BFF;
	s21 =	sshll.u32 s6, $0x1;
	s3 =	sadd.s32 s4, s19  }
0x9c: {  	s7 =	simm.s32 $0x0;
	s20 =	sshll.u32 s5, $0x1;
	s5 =	sadd.s32 s21, s3  }
0x9d: {  	[timem:s7], [sflag:s22] =	dma.local [hbm:s5], s20  }
0x9e: {  	_ =	swait.ge [sflag:s22], s20  }
0x9f: {  	s4 =	ssub.s32 $0x0, s20;
	[sflag:s22] =	ssyncset.done $0x0  }
0xa0: {  	[sflag:s22] =	ssyncadd.s32 s4;
	_ =	sdelay $0x1  }
0xa1: {  	s23 =	simm.s32 $0x1B8B  }
0xa2: {  	_ =	swait.ge [sflag:s23], $0x1  }
0xa3: {  	[sflag:s23] =	ssyncset.done $0x0  }
0xa4: {  	s25 =	simm.s32 $0x1B8E;
	s24 =	sld [smem:$0x3FFE];
	[sflag:s23] =	ssyncadd.s32 $0xFFFFFFFF  }
0xa5: {  	s26 =	simm.s32 $execute0_lowered;
	[smem:$0x3FD2] =	sst s25  }
0xa6: {  	s5 =	sshll.u32 s26, $0x1;
	_ =	strace $0x8000004C;
	[dreg:$0x1] =	wrdreg $0xFFFFFFFF  }
0xa7: {  	s28 =	simm.s32 $_size_execute0_lowered;
	s3 =	sadd.s32 s3, s5;
	[dreg:$0x0] =	wrdreg $0x0  }
0xa8: {  	s5 =	sshll.u32 s28, $0x1;
	[dreg:$0x2] =	wrdreg s3  }
0xa9: {  	[dreg:$0x3] =	wrdreg s5  }
0xaa: {  	[dreg:$0x4] =	wrdreg $0xC0  }
0xab: {  	_ =	task [dreg:s7], $0x5FFFF  }
0xac: {  	[dreg:$0x1] =	wrdreg $0xFFFFFFFF  }
0xad: {  	[dreg:$0x0] =	wrdreg $0x60  }
0xae: {  	[dreg:$0x2] =	wrdreg s24  }
0xaf: {  	[dreg:$0x3] =	wrdreg s2  }
0xb0: {  	[dreg:$0x4] =	wrdreg $0x0  }
0xb1: {  	[dreg:$0x5] =	wrdreg $0x9  }
0xb2: {  	_ =	task.clear_ibuf [dreg:s7], $0x6FFFF;
	_ =	strace $0x9000004C  }
0xb3: {  	s29 =	simm.s32 $0x9;
	_ =	strace $0x8000004E  }
0xb4: {  	_ =	swait.ge [sflag:s29], $0x1  }
0xb5: {  	[sflag:s29] =	ssyncadd.s32 $0xFFFFFFFF  }
0xb6: {  	_ =	strace $0x9000004E  }
0xb7: {  	_ =	sfence  }
0xb8: {  	s30 =	sld [smem:$0x0];
	_ =	sdelay $0x2  }
0xb9: {  	s31 =	sshll.u32 s1, $0xD;
	s1 =	sshrl.u32 s1, $0x2  }
0xba: {  	s3 =	sand.u32 $0x4000, s31;
	s1 =	sadd.s32 s1, s30  }
0xbb: {  	s0 =	sor.u32 s3, s0;
	s1 =	sshll.u32 s1, $0x11  }
0xbc: {  	s0 =	sor.u32 s1, s0  }
0xbd: {  	s0 =	sadd.s32 $0x8F2B, s0  }
0xbe: {  	[sflag:s0] =	ssyncadd.remote.s32 $0x1  }
0xbf: {  	_ =	sfence.sel $0xFFFF  }
0xc0: {  	[dreg:$0x0] =	wrdreg $0xFFFFFFFF;
	(pc) =	sbr.abs _section_cstart, $3  }
0xc1: {  	[dreg:$0x1] =	wrdreg $0xFFFFFFFF  }
0xc2: {  	_ =	task.clear_ibuf [dreg:s7], $0x2FFFF;
	_ =	strace $0x9FFFFFFF  }
0xc3: {  	(tm) =	ssettm $0x7FFFFFFF  }
tec
execute0_lowered:
.L_overlay_start_1:
0x0: {  	(tag) =	ssettag $0x1  }
0x1: {  	s0 =	rddreg [dreg:$0x0]  }
0x2: {  	s1 =	rddreg [dreg:$0x1];
	s7 =	stileid.u32  }
0x3: {  	s3 =	srdreg.scid;
	s2 =	rddreg [dreg:$0x2]  }
0x4: {  	s16 =	simm.s32 $0xA300;
	s17 =	simm.s32 $0x5;
	s18 =	simm.s32 $0x5000  }
0x5: {  	s19 =	simm.s32 $0x80;
	s20 =	simm.s32 $0xA200;
	s4 =	smul.u32 $0xA40, s7  }
0x6: {  	s21 =	simm.s32 $0xB300;
	s22 =	simm.s32 $0xA280;
	s9 =	smul.u32 $0x5000, s7  }
0x7: {  	s28 =	simm.s32 $0x4;
	s5 =	sand.u32 $0x1, s3;
	s7 =	smul.u32 $0x14000, s7  }
0x8: {  	s30 =	simm.s32 $0x0;
	s3 =	simm.s32 $0x0;
	s6 =	smul.u32 $0x50000, s5  }
0x9: {  	[smem:$0x7FF] =	sst s3;
	s24 =	ssub.s32 $0x2, s5;
	s10 =	smul.u32 $0x9C40, s5  }
0xa: {  	_ =	strace $0x8000004D;
	s15 =	sadd.s32 s4, s0;
	s8 =	sshrl.u32 s24, $0x1  }
0xb: {  	s25 =	sshrl.u32 s7, $0x2;
	s31 =	sadd.s32 s9, s2;
	s23 =	sadd.s32 s9, s6  }
0xc: {  	s11 =	ssub.s32 s24, s8;
	s26 =	sadd.s32 $0xB600, s15;
	s6 =	sadd.s32 s1, s10  }
0xd: {  	s29 =	sadd.s32 $0x1200, s15;
	s14 =	sadd.s32 $0x1C30, s15;
	s15 =	sadd.s32 $0x1220, s15  }
0xe: {  	s24 =	simm.s32 $0x3;
	s4 =	sshrl.u32 s23, $0x3;
	[dreg:$0x4] =	wrdreg s26  }
0xf: {  	[dreg:$0x5] =	wrdreg s29;
	s9 =	smax.u32 s11, $0x1;
	s23 =	simm.s32 $0x1  }
0x10: {  	s26 =	simm.s32 $0x2;
	s0 =	sadd.s32 s4, s0;
	s4 =	sadd.s32 s25, s2  }
0x11: {  	s25 =	sshrl.u32 s31, $0x3;
	s8 =	sadd.s32 $0x15A00, s0;
	s10 =	sadd.s32 $0x1000, s4  }
0x12: {  	v0 =	vimm.f32 $0.0e+00;
	s11 =	sadd.s32 $0x2000, s4;
	s12 =	sadd.s32 $0x3000, s4;
	s13 =	sadd.s32 $0x4000, s4  }
.LBB2_1:
0x13: {  	s1 =	simm.s32 $0x80;
	s0 =	simm.s32 $0x0  }
.LBB2_2:
0x14: {  	p0 =	sne.s32 s1, $0x3F80;
	[tilespmem:s0+$0xA300] =	vst v0;
	s31 =	smov.u32 s1;
	s1 =	sadd.s32 $0x80, s1  }
.Ltmp0:
0x15: {  	[tilespmem:s0+$0xA310] =	vst v0;
	(pc) =	sbr.rel @p0 .LBB2_2-.Ltmp0, $2  }
0x16: {  	_ =	sdelay $0x2  }
0x17: {  	s0 =	sshra.s32 s31, $0x2  }
0x18: {  	[tilespmem:s0+$0xA300] =	vst v0  }
0x19: {  	[tilespmem:s0+$0xA310] =	vst v0  }
0x1a: {  	[spmem:s4] =	stream.linear.scatter [tilespmem:s16], [sflag:$0x5], $0x1000, $0x38;
	[tilespmem:$0xC300] =	vst v63  }
0x1b: {  	_ =	swait.ge [sflag:s17], $0x1000  }
0x1c: {  	[sflag:s17] =	ssyncset.done $0x0  }
0x1d: {  	[sflag:s17] =	ssyncadd.s32 $0xFFFFF000  }
0x1e: {  	[spmem:s10] =	stream.linear.scatter [tilespmem:s16], [sflag:$0x5], $0x1000, $0x38;
	[tilespmem:$0xC300] =	vst v63  }
0x1f: {  	_ =	swait.ge [sflag:s17], $0x1000  }
0x20: {  	[sflag:s17] =	ssyncset.done $0x0  }
0x21: {  	[sflag:s17] =	ssyncadd.s32 $0xFFFFF000  }
0x22: {  	[spmem:s11] =	stream.linear.scatter [tilespmem:s16], [sflag:$0x5], $0x1000, $0x38;
	[tilespmem:$0xC300] =	vst v63  }
0x23: {  	_ =	swait.ge [sflag:s17], $0x1000  }
0x24: {  	[sflag:s17] =	ssyncset.done $0x0  }
0x25: {  	[sflag:s17] =	ssyncadd.s32 $0xFFFFF000  }
0x26: {  	[spmem:s12] =	stream.linear.scatter [tilespmem:s16], [sflag:$0x5], $0x1000, $0x38;
	[tilespmem:$0xC300] =	vst v63  }
0x27: {  	_ =	swait.ge [sflag:s17], $0x1000  }
0x28: {  	[sflag:s17] =	ssyncset.done $0x0  }
0x29: {  	[sflag:s17] =	ssyncadd.s32 $0xFFFFF000  }
0x2a: {  	[spmem:s13] =	stream.linear.scatter [tilespmem:s16], [sflag:$0x5], $0x1000, $0x38;
	[tilespmem:$0xC300] =	vst v63  }
0x2b: {  	_ =	swait.ge [sflag:s17], $0x1000  }
0x2c: {  	[sflag:s17] =	ssyncset.done $0x0  }
0x2d: {  	s29 =	rddreg [dreg:$0x4];
	[sflag:s17] =	ssyncadd.s32 $0xFFFFF000  }
0x2e: {  	[tilespmem:s18], [sflag:$0x5] =	stream.linear.gather [hbm4b:s29+s3], $0x5200, $0x38;
	[tilespmem:$0xC300] =	vst v63  }
0x2f: {  	_ =	swait.ge [sflag:s17], $0x5200  }
0x30: {  	[sflag:s17] =	ssyncset.done $0x0  }
0x31: {  	[sflag:s17] =	ssyncadd.s32 $0xFFFFAE00  }
0x32: {  	[bflag:$0x0] =	sbarrier.arrive $0xFFFF  }
0x33: {  	[tilespmem:s16], [sflag:$0x1] =	stream.indirect.gather [hbm4b:s6+s19], $0x20, s18, s19, $0xb8;
	[tilespmem:$0xC300] =	vst v63  }
0x34: {  	s1 =	rddreg [dreg:$0x5]  }
0x35: {  	[tilespmem:s20], [sflag:$0x3] =	stream.linear.gather [hbm4b:s1+s3], $0x80, $0x38;
	[tilespmem:$0xC300] =	vst v63  }
0x36: {  	s5 =	simm.s32 $0x5080  }
0x37: {  	[tilespmem:s21], [sflag:$0x2] =	stream.indirect.gather [hbm4b:s6+s19], $0x20, s5, s19, $0xb8;
	[tilespmem:$0xC300] =	vst v63  }
0x38: {  	s7 =	sadd.s32 $0xFFFFFFF0, s15  }
0x39: {  	[tilespmem:s22], [sflag:$0x4] =	stream.linear.gather [hbm4b:s7+s3], $0x80, $0x38;
	[tilespmem:$0xC300] =	vst v63  }
0x3a: {  	_ =	swait.ge [sflag:s23], $0x1000  }
0x3b: {  	[sflag:s23] =	ssyncset.done $0x0  }
0x3c: {  	[sflag:s23] =	ssyncadd.s32 $0xFFFFF000  }
0x3d: {  	_ =	swait.ge [sflag:s24], $0x80  }
0x3e: {  	[sflag:s24] =	ssyncset.done $0x0  }
0x3f: {  	[sflag:s24] =	ssyncadd.s32 $0xFFFFFF80  }
0x40: {  	[spmem:s2] =	stream.indirect.scatter.add.f32 [tilespmem:s16], [sflag:$0x5], $0x20, s20, s19, $0xb8;
	[tilespmem:$0xC300] =	vst v63  }
0x41: {  	_ =	swait.ge [sflag:s17], $0x1000  }
0x42: {  	[sflag:s17] =	ssyncset.done $0x0  }
0x43: {  	s29 =	simm.s32 $0x5100;
	[sflag:s17] =	ssyncadd.s32 $0xFFFFF000  }
0x44: {  	[tilespmem:s16], [sflag:$0x1] =	stream.indirect.gather [hbm4b:s6+s19], $0x20, s29, s19, $0xb8;
	[tilespmem:$0xC300] =	vst v63  }
0x45: {  	_ = 	snop  }
0x46: {  	[tilespmem:s20], [sflag:$0x3] =	stream.linear.gather [hbm4b:s15+s3], $0x80, $0x38;
	[tilespmem:$0xC300] =	vst v63  }
0x47: {  	_ =	swait.ge [sflag:s26], $0x1000  }
0x48: {  	[sflag:s26] =	ssyncset.done $0x0  }
0x49: {  	[sflag:s26] =	ssyncadd.s32 $0xFFFFF000  }
0x4a: {  	_ =	swait.ge [sflag:s28], $0x80  }
0x4b: {  	[sflag:s28] =	ssyncset.done $0x0  }
0x4c: {  	[sflag:s28] =	ssyncadd.s32 $0xFFFFFF80  }
0x4d: {  	[spmem:s2] =	stream.indirect.scatter.add.f32 [tilespmem:s21], [sflag:$0x5], $0x20, s22, s19, $0xb8;
	[tilespmem:$0xC300] =	vst v63  }
0x4e: {  	s0 =	simm.s32 $0xFFFEC400;
	_ =	swait.ge [sflag:s17], $0x1000  }
0x4f: {  	s31 =	sadd.s32 $0x20, s15;
	s1 =	simm.s32 $0xFFFFB000;
	[sflag:s17] =	ssyncset.done $0x0  }
.LBB2_4:
0x50: {  	s29 =	sadd.s32 $0xA180, s1  }
0x51: {  	[sflag:s17] =	ssyncadd.s32 $0xFFFFF000;
	s5 =	smov.u32 s0;
	s7 =	sadd.s32 $0x400, s0  }
0x52: {  	[tilespmem:s21], [sflag:$0x2] =	stream.indirect.gather [hbm4b:s6+s19], $0x20, s29, s19, $0xb8;
	[tilespmem:$0xC300] =	vst v63  }
0x53: {  	p0 =	sne.s32 s0, $0xFFFFFC00;
	s0 =	sadd.s32 $0xFFFFFFF0, s31  }
0x54: {  	[tilespmem:s22], [sflag:$0x4] =	stream.linear.gather [hbm4b:s0+s3], $0x80, $0x38;
	[tilespmem:$0xC300] =	vst v63  }
0x55: {  	_ =	swait.ge [sflag:s23], $0x1000  }
0x56: {  	[sflag:s23] =	ssyncset.done $0x0  }
0x57: {  	[sflag:s23] =	ssyncadd.s32 $0xFFFFF000  }
0x58: {  	_ =	swait.ge [sflag:s24], $0x80  }
0x59: {  	[sflag:s24] =	ssyncset.done $0x0  }
0x5a: {  	[sflag:s24] =	ssyncadd.s32 $0xFFFFFF80  }
0x5b: {  	[spmem:s2] =	stream.indirect.scatter.add.f32 [tilespmem:s16], [sflag:$0x5], $0x20, s20, s19, $0xb8;
	[tilespmem:$0xC300] =	vst v63  }
0x5c: {  	_ =	swait.ge [sflag:s17], $0x1000  }
0x5d: {  	[sflag:s17] =	ssyncset.done $0x0  }
0x5e: {  	s0 =	sadd.s32 $0xA200, s1;
	[sflag:s17] =	ssyncadd.s32 $0xFFFFF000  }
0x5f: {  	[tilespmem:s16], [sflag:$0x1] =	stream.indirect.gather [hbm4b:s6+s19], $0x20, s0, s19, $0xb8;
	[tilespmem:$0xC300] =	vst v63  }
0x60: {  	_ = 	snop  }
0x61: {  	[tilespmem:s20], [sflag:$0x3] =	stream.linear.gather [hbm4b:s31+s3], $0x80, $0x38;
	[tilespmem:$0xC300] =	vst v63  }
0x62: {  	_ =	swait.ge [sflag:s26], $0x1000  }
0x63: {  	[sflag:s26] =	ssyncset.done $0x0  }
0x64: {  	[sflag:s26] =	ssyncadd.s32 $0xFFFFF000  }
0x65: {  	_ =	swait.ge [sflag:s28], $0x80  }
.Ltmp1:
0x66: {  	[sflag:s28] =	ssyncset.done $0x0;
	(pc) =	sbr.rel @p0 .LBB2_4-.Ltmp1, $4  }
0x67: {  	[sflag:s28] =	ssyncadd.s32 $0xFFFFFF80  }
0x68: {  	[spmem:s2] =	stream.indirect.scatter.add.f32 [tilespmem:s21], [sflag:$0x5], $0x20, s22, s19, $0xb8;
	[tilespmem:$0xC300] =	vst v63  }
0x69: {  	s1 =	sshra.s32 s5, $0x2;
	_ =	swait.ge [sflag:s17], $0x1000  }
0x6a: {  	s0 =	smov.u32 s7;
	s31 =	sadd.s32 $0x20, s31;
	[sflag:s17] =	ssyncset.done $0x0  }
0x6b: {  	s0 =	sadd.s32 $0xA180, s1;
	[sflag:s17] =	ssyncadd.s32 $0xFFFFF000  }
0x6c: {  	[tilespmem:s21], [sflag:$0x2] =	stream.indirect.gather [hbm4b:s6+s19], $0x20, s0, s19, $0xb8;
	[tilespmem:$0xC300] =	vst v63  }
0x6d: {  	s5 =	sadd.s32 $0xFFFFFFF0, s31  }
0x6e: {  	[tilespmem:s22], [sflag:$0x4] =	stream.linear.gather [hbm4b:s5+s3], $0x80, $0x38;
	[tilespmem:$0xC300] =	vst v63  }
0x6f: {  	_ =	swait.ge [sflag:s23], $0x1000  }
0x70: {  	[sflag:s23] =	ssyncset.done $0x0  }
0x71: {  	[sflag:s23] =	ssyncadd.s32 $0xFFFFF000  }
0x72: {  	_ =	swait.ge [sflag:s24], $0x80  }
0x73: {  	[sflag:s24] =	ssyncset.done $0x0  }
0x74: {  	[sflag:s24] =	ssyncadd.s32 $0xFFFFFF80  }
0x75: {  	[spmem:s2] =	stream.indirect.scatter.add.f32 [tilespmem:s16], [sflag:$0x5], $0x20, s20, s19, $0xb8;
	[tilespmem:$0xC300] =	vst v63  }
0x76: {  	_ =	swait.ge [sflag:s17], $0x1000  }
0x77: {  	[sflag:s17] =	ssyncset.done $0x0  }
0x78: {  	s7 =	sadd.s32 $0xA200, s1;
	[sflag:s17] =	ssyncadd.s32 $0xFFFFF000  }
0x79: {  	[tilespmem:s16], [sflag:$0x1] =	stream.indirect.gather [hbm4b:s6+s19], $0x20, s7, s19, $0xb8;
	[tilespmem:$0xC300] =	vst v63  }
0x7a: {  	_ = 	snop  }
0x7b: {  	[tilespmem:s20], [sflag:$0x3] =	stream.linear.gather [hbm4b:s31+s3], $0x80, $0x38;
	[tilespmem:$0xC300] =	vst v63  }
0x7c: {  	_ =	swait.ge [sflag:s26], $0x1000  }
0x7d: {  	[sflag:s26] =	ssyncset.done $0x0  }
0x7e: {  	[sflag:s26] =	ssyncadd.s32 $0xFFFFF000  }
0x7f: {  	_ =	swait.ge [sflag:s28], $0x80  }
0x80: {  	[sflag:s28] =	ssyncset.done $0x0  }
0x81: {  	[sflag:s28] =	ssyncadd.s32 $0xFFFFFF80  }
0x82: {  	[spmem:s2] =	stream.indirect.scatter.add.f32 [tilespmem:s21], [sflag:$0x5], $0x20, s22, s19, $0xb8;
	[tilespmem:$0xC300] =	vst v63  }
0x83: {  	_ =	swait.ge [sflag:s17], $0x1000  }
0x84: {  	[sflag:s17] =	ssyncset.done $0x0  }
0x85: {  	s29 =	simm.s32 $0xA180;
	[sflag:s17] =	ssyncadd.s32 $0xFFFFF000  }
0x86: {  	[tilespmem:s21], [sflag:$0x2] =	stream.indirect.gather [hbm4b:s6+s19], $0x20, s29, s19, $0xb8;
	[tilespmem:$0xC300] =	vst v63  }
0x87: {  	_ = 	snop  }
0x88: {  	[tilespmem:s22], [sflag:$0x4] =	stream.linear.gather [hbm4b:s14+s3], $0x80, $0x38;
	[tilespmem:$0xC300] =	vst v63  }
0x89: {  	_ =	swait.ge [sflag:s23], $0x1000  }
0x8a: {  	[sflag:s23] =	ssyncset.done $0x0  }
0x8b: {  	[sflag:s23] =	ssyncadd.s32 $0xFFFFF000  }
0x8c: {  	_ =	swait.ge [sflag:s24], $0x80  }
0x8d: {  	[sflag:s24] =	ssyncset.done $0x0  }
0x8e: {  	[sflag:s24] =	ssyncadd.s32 $0xFFFFFF80  }
0x8f: {  	[spmem:s2] =	stream.indirect.scatter.add.f32 [tilespmem:s16], [sflag:$0x5], $0x20, s20, s19, $0xb8;
	[tilespmem:$0xC300] =	vst v63  }
0x90: {  	_ =	swait.ge [sflag:s17], $0x1000  }
0x91: {  	[sflag:s17] =	ssyncset.done $0x0  }
0x92: {  	[sflag:s17] =	ssyncadd.s32 $0xFFFFF000  }
0x93: {  	_ =	swait.ge [sflag:s26], $0x1000  }
0x94: {  	[sflag:s26] =	ssyncset.done $0x0  }
0x95: {  	[sflag:s26] =	ssyncadd.s32 $0xFFFFF000  }
0x96: {  	_ =	swait.ge [sflag:s28], $0x80  }
0x97: {  	[sflag:s28] =	ssyncset.done $0x0  }
0x98: {  	[sflag:s28] =	ssyncadd.s32 $0xFFFFFF80  }
0x99: {  	[spmem:s2] =	stream.indirect.scatter.add.f32 [tilespmem:s21], [sflag:$0x5], $0x20, s22, s19, $0xb8;
	[tilespmem:$0xC300] =	vst v63  }
0x9a: {  	_ =	swait.ge [sflag:s17], $0x1000  }
0x9b: {  	s30 =	sadd.s32 $0x1, s30;
	s31 =	stileid.u32;
	[sflag:s17] =	ssyncset.done $0x0  }
0x9c: {  	p0 =	sne.s32 s30, s9;
	s0 =	sshll.u32 s31, $0x6;
	[sflag:s17] =	ssyncadd.s32 $0xFFFFF000  }
.Ltmp2:
0x9d: {  	s0 =	sor.u32 $0x1C05, s0;
	[bflag:$0x0] =	sbarrier.arrive $0xFFFF;
	(pc) =	sbr.rel @p0 .LBB2_1-.Ltmp2, $4  }
0x9e: {  	[hbm:s8], [sflag:s0] =	dma.local [spmem:s25], $0xA00  }
0x9f: {  	_ =	swait.ge [sflag:s17], $0xA00  }
0xa0: {  	[sflag:s17] =	ssyncset.done $0x0  }
0xa1: {  	[sflag:s17] =	ssyncadd.s32 $0xFFFFF600  }
0xa2: {  	_ =	sfence.sel $0x180000  }
0xa3: {  	[bflag:$0x0] =	sbarrier.arrive $0xFFFF  }
0xa4: {  	_ =	strace $0x9000004D  }
0xa5: {  	s0 =	stileid.u32;
	[bflag:$0x2] =	sbarrier.arrive $0xFFFF  }
0xa6: {  	p0 =	sne.s32 s0, $0x0;
	s0 =	rddreg [dreg:$0x3]  }
0xa7: {  	s0 =	sadd.s32 @!p0 $0x100000, s0  }
0xa8: {  	[sflag:s0] =	ssyncadd.tile.s32 @!p0 $0x1;
	_ =	shalt  }
.Lfunc_end2:
_tile_overlayer_lowered:
.L_overlay_start_2:
0xa9: {  	(tag) =	ssettag $0x2  }
0xaa: {  	s0 =	rddreg [dreg:$0x0];
	s2 =	stileid.u32  }
0xab: {  	s1 =	rddreg [dreg:$0x1];
	p0 =	sne.s32 s2, $0x0  }
0xac: {  	s3 =	rddreg [dreg:$0x2];
	[bflag:$0x3] =	sbarrier.arrive $0xFFFF;
	s2 =	simm.s32 @!p0 $0x1C05  }
0xad: {  	[timem:s3], [sflag:s2] =	dma.local @!p0 [hbm:s0], s1  }
0xae: {  	s0 =	simm.s32 @!p0 $0x5  }
0xaf: {  	_ =	swait.ge @!p0 [sflag:s0], s1  }
0xb0: {  	s1 =	ssub.s32 @!p0 $0x0, s1;
	[sflag:s0] =	ssyncset.done @!p0 $0x0  }
0xb1: {  	[sflag:s0] =	ssyncadd.s32 @!p0 s1  }
0xb2: {  	[bflag:$0x3] =	sbarrier.arrive $0xFFFF  }
0xb3: {  	_ =	shalt  }

// kernel: kernel.9.cloned.1.call-start
scs
__scs_entry_jumppad:
0x0: {  	(pc) =	sbr.rel $0x88, $3  }
0x1: {  	(tag) =	ssettag $0x0;
	lr =	simm.s32 $0x1  }
0x2: {  	[smem:$0x3F9B] =	sst lr;
	_ =	strace $0xD0000000  }
0x3: {  	_ = 	snop  }
0x4: {  	_ = 	snop  }
0x5: {  	_ = 	snop  }
0x6: {  	_ = 	snop  }
0x7: {  	_ = 	snop  }
__scs_overlays_trampoline_lowered:
0x8: {  	[smem:$0x3FAA] =	sst s0  }
0x9: {  	[smem:$0x3FAB] =	sst s1  }
0xa: {  	[smem:$0x3FAC] =	sst s2  }
0xb: {  	[smem:$0x3FAD] =	sst s3  }
0xc: {  	[smem:$0x3FAE] =	sst s4  }
0xd: {  	[smem:$0x3FAF] =	sst s5  }
0xe: {  	[smem:$0x3FB0] =	sst s6  }
0xf: {  	[smem:$0x3FB1] =	sst s7  }
0x10: {  	[smem:$0x3FB2] =	sst s8  }
0x11: {  	[smem:$0x3FB3] =	sst s9;
	s0 =	simm.s32 @!p0 $0x0  }
0x12: {  	s1 =	sld [smem:$0x3F99];
	s0 =	simm.s32 @p0 $0x1  }
0x13: {  	[smem:$0x3FB4] =	sst s0;
	s0 =	simm.s32 @!p1 $0x0  }
0x14: {  	s2 =	sld [smem:$0x3F98];
	s0 =	simm.s32 @p1 $0x1  }
0x15: {  	[smem:$0x3FB5] =	sst s0;
	s0 =	simm.s32 @!p2 $0x0  }
0x16: {  	s3 =	sld [smem:$0x3FDB];
	s0 =	simm.s32 @p2 $0x1  }
0x17: {  	s4 =	simm.s32 $0x1BF5;
	[smem:$0x3FB7] =	sst s0  }
0x18: {  	s0 =	sld [smem:$0x3F9A];
	_ =	swait.ge [sflag:s4], $0x0  }
0x19: {  	s7 =	sld [smem:$0x3F9B]  }
0x1a: {  	s8 =	sadd.s32 $0xFFFFE003, lr  }
0x1b: {  	s9 =	sadd.s32 $0xFFFFFEF7, lr;
	s5 =	simm.s32 $0xFFFFFFFF;
	p2 =	slt.u32 s8, $0xFFFFF086  }
0x1c: {  	p1 =	slt.u32 s9, $0xF7A;
	s5 =	simm.s32 @!p2 $0x0  }
0x1d: {  	s5 =	simm.s32 @p1 $0x1;
	p0 =	seq.s32 s7, s2  }
0x1e: {  	s7 =	smul.u32 @!p0 $0xF7A, s2;
	p2 =	seq.s32 @!p0 s5, $0x0  }
0x1f: {  	s9 =	smul.u32 $0xF7A, s1;
	s8 =	simm.s32 @!p0 $0x1BF5;
	p2 =	por !p2, p0  }
0x20: {  	[sflag:s8] =	ssyncset.s32 @!p0 $0xFFFFF086;
	s6 =	sadd.s32 @!p0 s3, s7;
	s7 =	simm.s32 @!p0 $0x108  }
0x21: {  	s3 =	sadd.s32 s3, s9;
	s6 =	sadd.s32 @!p0 $0x88, s6;
	s7 =	simm.s32 @p2 $0x1082  }
0x22: {  	[simem:s7], [sflag:s8] =	dma.local @!p0 [hbm:s6], $0xF7A  }
0x23: {  	s9 =	sor.u32 $0xD0000000, s2;
	s6 =	simm.s32 $0x108;
	_ =	swait.ge @!p0 [sflag:s8], $0x0  }
0x24: {  	s3 =	sadd.s32 $0x88, s3;
	s6 =	simm.s32 @!p1 $0x1082;
	[sflag:s4] =	ssyncset.s32 $0xFFFFF086  }
0x25: {  	[simem:s6], [sflag:s4] =	dma.local [hbm:s3], $0xF7A  }
0x26: {  	[smem:$0x3F9B] =	sst s1;
	(tag) =	ssettag s2;
	_ =	strace s9  }
0x27: {  	s1 =	sld [smem:$0x3FAB]  }
0x28: {  	s2 =	sld [smem:$0x3FAC]  }
0x29: {  	s4 =	sld [smem:$0x3FAE]  }
0x2a: {  	p0 =	seq.s32 s5, $0x0;
	s5 =	sld [smem:$0x3FAF]  }
0x2b: {  	s6 =	sld [smem:$0x3FB0]  }
0x2c: {  	s7 =	sld [smem:$0x3FB1]  }
0x2d: {  	s3 =	simm.s32 $0x108;
	s8 =	sld [smem:$0x3FB2]  }
0x2e: {  	s3 =	simm.s32 @!p0 $0x1082;
	s9 =	sld [smem:$0x3FB3]  }
0x2f: {  	lr =	sadd.s32 s0, s3;
	s0 =	sld [smem:$0x3FAA]  }
0x30: {  	s3 =	sld [smem:$0x3FAD]  }
0x31: {  	[smem:$0x3FB6] =	sst s10  }
0x32: {  	s10 =	sld [smem:$0x3FB4];
	_ =	sdelay $0x3  }
0x33: {  	p0 =	seq.s32 s10, $0x1;
	s10 =	sld [smem:$0x3FB6];
	_ =	sdelay $0x3  }
0x34: {  	[smem:$0x3FB6] =	sst s10  }
0x35: {  	s10 =	sld [smem:$0x3FB5];
	_ =	sdelay $0x3  }
0x36: {  	p1 =	seq.s32 s10, $0x1;
	s10 =	sld [smem:$0x3FB6];
	_ =	sdelay $0x3  }
0x37: {  	[smem:$0x3FB6] =	sst s10  }
0x38: {  	s10 =	sld [smem:$0x3FB7]  }
0x39: {  	_ = 	snop;
	(pc) =	sbr.ind lr, $3  }
0x3a: {  	_ = 	snop  }
0x3b: {  	_ = 	snop  }
0x3c: {  	p2 =	seq.s32 s10, $0x1;
	s10 =	sld [smem:$0x3FB6]  }
0x3d: {  	_ =	shalt  }
0x3e: {  	_ =	shalt  }
0x3f: {  	_ =	shalt  }
0x40: {  	_ =	shalt  }
0x41: {  	_ =	shalt  }
0x42: {  	_ =	shalt  }
0x43: {  	_ =	shalt  }
0x44: {  	_ =	shalt  }
0x45: {  	_ =	shalt  }
0x46: {  	_ =	shalt  }
0x47: {  	_ =	shalt  }
0x48: {  	_ =	shalt  }
0x49: {  	_ =	shalt  }
0x4a: {  	_ =	shalt  }
0x4b: {  	_ =	shalt  }
0x4c: {  	_ =	shalt  }
0x4d: {  	_ =	shalt  }
0x4e: {  	_ =	shalt  }
0x4f: {  	_ =	shalt  }
0x50: {  	_ =	shalt  }
0x51: {  	_ =	shalt  }
0x52: {  	_ =	shalt  }
0x53: {  	_ =	shalt  }
0x54: {  	_ =	shalt  }
0x55: {  	_ =	shalt  }
0x56: {  	_ =	shalt  }
0x57: {  	_ =	shalt  }
0x58: {  	_ =	shalt  }
0x59: {  	_ =	shalt  }
0x5a: {  	_ =	shalt  }
0x5b: {  	_ =	shalt  }
0x5c: {  	_ =	shalt  }
0x5d: {  	_ =	shalt  }
0x5e: {  	_ =	shalt  }
0x5f: {  	_ =	shalt  }
0x60: {  	_ =	shalt  }
0x61: {  	_ =	shalt  }
0x62: {  	_ =	shalt  }
0x63: {  	_ =	shalt  }
0x64: {  	_ =	shalt  }
0x65: {  	_ =	shalt  }
0x66: {  	_ =	shalt  }
0x67: {  	_ =	shalt  }
0x68: {  	_ =	shalt  }
0x69: {  	_ =	shalt  }
0x6a: {  	_ =	shalt  }
0x6b: {  	_ =	shalt  }
0x6c: {  	_ =	shalt  }
0x6d: {  	_ =	shalt  }
0x6e: {  	_ =	shalt  }
0x6f: {  	_ =	shalt  }
0x70: {  	_ =	shalt  }
0x71: {  	_ =	shalt  }
0x72: {  	_ =	shalt  }
0x73: {  	_ =	shalt  }
0x74: {  	_ =	shalt  }
0x75: {  	_ =	shalt  }
0x76: {  	_ =	shalt  }
0x77: {  	_ =	shalt  }
0x78: {  	_ =	shalt  }
0x79: {  	_ =	shalt  }
0x7a: {  	_ =	shalt  }
0x7b: {  	_ =	shalt  }
0x7c: {  	_ =	shalt  }
0x7d: {  	_ =	shalt  }
0x7e: {  	_ =	shalt  }
0x7f: {  	_ =	shalt  }
0x80: {  	_ =	shalt  }
0x81: {  	_ =	shalt  }
0x82: {  	_ =	shalt  }
0x83: {  	_ =	shalt  }
0x84: {  	_ =	shalt  }
0x85: {  	_ =	shalt  }
0x86: {  	_ =	shalt  }
0x87: {  	_ =	shalt  }
.Lfunc_end0:
.L_simem_size_0:
called_computation_lowered:
.L_overlay_start_0:
0x88: {  	s2 =	sld [smem:$0x3FD9]  }
0x89: {  	s3 =	sld [smem:$0x3FFE];
	_ =	sdelay $0x1  }
0x8a: {  	s1 =	srdreg.scid  }
0x8b: {  	s0 =	sand.u32 $0x1, s1  }
0x8c: {  	s17 =	sshll.u32 s0, $0xA;
	s2 =	sadd.s32 s3, s2  }
0x8d: {  	s2 =	sadd.s32 s2, s17  }
0x8e: {  	[smem:$0x3FC2] =	sst s2  }
0x8f: {  	_ = 	snop  }
0x90: {  	s2 =	sld [smem:$0x3FD0];
	(tm) =	ssettm $0x1  }
0x91: {  	s18 =	sld [smem:$0x3FFB];
	_ =	sdelay $0x3  }
0x92: {  	_ =	strace s18  }
0x93: {  	s3 =	sld [smem:$0x3FFC];
	_ =	sdelay $0x3  }
0x94: {  	_ =	strace s3  }
0x95: {  	s3 =	sld [smem:$0x3FFD];
	_ =	sdelay $0x3  }
0x96: {  	_ =	strace s3  }
0x97: {  	_ =	strace $0x8FFFFFFF  }
0x98: {  	s19 =	sld [smem:$0x3FDB];
	_ =	sdelay $0x1  }
0x99: {  	s4 =	simm.s32 $_scs_section_size  }
0x9a: {  	s5 =	simm.s32 $_size__tile_overlayer_lowered;
	s6 =	simm.s32 $_tile_overlayer_lowered  }
0x9b: {  	s22 =	simm.s32 $0x1BFF;
	s21 =	sshll.u32 s6, $0x1;
	s3 =	sadd.s32 s4, s19  }
0x9c: {  	s7 =	simm.s32 $0x0;
	s20 =	sshll.u32 s5, $0x1;
	s5 =	sadd.s32 s21, s3  }
0x9d: {  	[timem:s7], [sflag:s22] =	dma.local [hbm:s5], s20  }
0x9e: {  	_ =	swait.ge [sflag:s22], s20  }
0x9f: {  	s4 =	ssub.s32 $0x0, s20;
	[sflag:s22] =	ssyncset.done $0x0  }
0xa0: {  	[sflag:s22] =	ssyncadd.s32 s4;
	_ =	sdelay $0x1  }
0xa1: {  	s23 =	simm.s32 $0x1B8B  }
0xa2: {  	_ =	swait.ge [sflag:s23], $0x1  }
0xa3: {  	[sflag:s23] =	ssyncset.done $0x0  }
0xa4: {  	s25 =	simm.s32 $0x1B8E;
	s24 =	sld [smem:$0x3FFE];
	[sflag:s23] =	ssyncadd.s32 $0xFFFFFFFF  }
0xa5: {  	s26 =	simm.s32 $execute0_lowered;
	[smem:$0x3FD2] =	sst s25  }
0xa6: {  	s5 =	sshll.u32 s26, $0x1;
	_ =	strace $0x80000046;
	[dreg:$0x1] =	wrdreg $0xFFFFFFFF  }
0xa7: {  	s28 =	simm.s32 $_size_execute0_lowered;
	s3 =	sadd.s32 s3, s5;
	[dreg:$0x0] =	wrdreg $0x0  }
0xa8: {  	s5 =	sshll.u32 s28, $0x1;
	[dreg:$0x2] =	wrdreg s3  }
0xa9: {  	[dreg:$0x3] =	wrdreg s5  }
0xaa: {  	[dreg:$0x4] =	wrdreg $0xC0  }
0xab: {  	_ =	task [dreg:s7], $0x5FFFF  }
0xac: {  	[dreg:$0x1] =	wrdreg $0xFFFFFFFF  }
0xad: {  	[dreg:$0x0] =	wrdreg $0x60  }
0xae: {  	[dreg:$0x2] =	wrdreg s24  }
0xaf: {  	[dreg:$0x3] =	wrdreg s2  }
0xb0: {  	[dreg:$0x4] =	wrdreg $0x0  }
0xb1: {  	[dreg:$0x5] =	wrdreg $0x9  }
0xb2: {  	_ =	task.clear_ibuf [dreg:s7], $0x6FFFF;
	_ =	strace $0x90000046  }
0xb3: {  	s29 =	simm.s32 $0x9;
	_ =	strace $0x80000048  }
0xb4: {  	_ =	swait.ge [sflag:s29], $0x1  }
0xb5: {  	[sflag:s29] =	ssyncadd.s32 $0xFFFFFFFF  }
0xb6: {  	_ =	strace $0x90000048  }
0xb7: {  	_ =	sfence  }
0xb8: {  	s30 =	sld [smem:$0x0];
	_ =	sdelay $0x2  }
0xb9: {  	s31 =	sshll.u32 s1, $0xD;
	s1 =	sshrl.u32 s1, $0x2  }
0xba: {  	s3 =	sand.u32 $0x4000, s31;
	s1 =	sadd.s32 s1, s30  }
0xbb: {  	s0 =	sor.u32 s3, s0;
	s1 =	sshll.u32 s1, $0x11  }
0xbc: {  	s0 =	sor.u32 s1, s0  }
0xbd: {  	s0 =	sadd.s32 $0x8F2B, s0  }
0xbe: {  	[sflag:s0] =	ssyncadd.remote.s32 $0x1  }
0xbf: {  	_ =	sfence.sel $0xFFFF  }
0xc0: {  	[dreg:$0x0] =	wrdreg $0xFFFFFFFF;
	(pc) =	sbr.abs _section_cstart, $3  }
0xc1: {  	[dreg:$0x1] =	wrdreg $0xFFFFFFFF  }
0xc2: {  	_ =	task.clear_ibuf [dreg:s7], $0x2FFFF;
	_ =	strace $0x9FFFFFFF  }
0xc3: {  	(tm) =	ssettm $0x7FFFFFFF  }
tec
execute0_lowered:
.L_overlay_start_1:
0x0: {  	(tag) =	ssettag $0x1  }
0x1: {  	s5 =	rddreg [dreg:$0x0]  }
0x2: {  	s6 =	rddreg [dreg:$0x1]  }
0x3: {  	s0 =	srdreg.scid;
	s2 =	rddreg [dreg:$0x2]  }
0x4: {  	s3 =	simm.s32 $0x0;
	s10 =	simm.s32 $0x280;
	s11 =	simm.s32 $0x80  }
0x5: {  	s12 =	simm.s32 $0x2B80;
	s4 =	sand.u32 $0x1, s0;
	s0 =	stileid.u32  }
0x6: {  	s15 =	simm.s32 $0x0;
	[smem:$0x7FF] =	sst s3;
	s8 =	smul.u32 $0x280, s0  }
0x7: {  	s1 =	sshll.u32 s4, $0x4;
	s9 =	smul.u32 $0x2800, s4;
	s4 =	ssub.s32 $0x2, s4  }
0x8: {  	s13 =	sshll.u32 s0, $0x6;
	s1 =	sor.u32 s0, s1;
	s30 =	sshrl.u32 s4, $0x1  }
0x9: {  	s13 =	sor.u32 $0x1C01, s13;
	s7 =	smul.u32 $0x520, s1;
	s9 =	sadd.s32 s8, s9  }
0xa: {  	s1 =	rddreg [dreg:$0x3];
	_ =	strace $0x80000047;
	s31 =	sshrl.u32 s9, $0x3  }
0xb: {  	s9 =	simm.s32 $0x1;
	s5 =	sadd.s32 s7, s5;
	s7 =	ssub.s32 s4, s30  }
0xc: {  	s4 =	sadd.s32 s8, s2;
	s6 =	sadd.s32 s6, s31;
	s8 =	simm.s32 $0x2C00  }
0xd: {  	v0 =	vimm.f32 $0.0e+00;
	v1 =	vimm.f32 $1.000000000e+00;
	s5 =	sadd.s32 $0x1200, s5;
	s7 =	smax.u32 s7, $0x1;
	s14 =	sshrl.u32 s4, $0x3  }
.LBB2_1:
0xe: {  	[tilespmem:$0x2C00] =	vst v0  }
0xf: {  	[tilespmem:$0x2C10] =	vst v0  }
0x10: {  	[tilespmem:$0x2C20] =	vst v0  }
0x11: {  	[tilespmem:$0x2C30] =	vst v0  }
0x12: {  	[tilespmem:$0x2C40] =	vst v0  }
0x13: {  	[tilespmem:$0x2C50] =	vst v0  }
0x14: {  	[tilespmem:$0x2C60] =	vst v0  }
0x15: {  	[tilespmem:$0x2C70] =	vst v0  }
0x16: {  	[tilespmem:$0x2C80] =	vst v0  }
0x17: {  	[tilespmem:$0x2C90] =	vst v0  }
0x18: {  	[tilespmem:$0x2CA0] =	vst v0  }
0x19: {  	[tilespmem:$0x2CB0] =	vst v0  }
0x1a: {  	[tilespmem:$0x2CC0] =	vst v0  }
0x1b: {  	[tilespmem:$0x2CD0] =	vst v0  }
0x1c: {  	[tilespmem:$0x2CE0] =	vst v0  }
0x1d: {  	[tilespmem:$0x2CF0] =	vst v0  }
0x1e: {  	[tilespmem:$0x2D00] =	vst v0  }
0x1f: {  	[tilespmem:$0x2D10] =	vst v0  }
0x20: {  	[tilespmem:$0x2D20] =	vst v0  }
0x21: {  	[tilespmem:$0x2D30] =	vst v0  }
0x22: {  	[tilespmem:$0x2D40] =	vst v0  }
0x23: {  	[tilespmem:$0x2D50] =	vst v0  }
0x24: {  	[tilespmem:$0x2D60] =	vst v0  }
0x25: {  	[tilespmem:$0x2D70] =	vst v0  }
0x26: {  	[tilespmem:$0x2D80] =	vst v0  }
0x27: {  	[tilespmem:$0x2D90] =	vst v0  }
0x28: {  	[tilespmem:$0x2DA0] =	vst v0  }
0x29: {  	[tilespmem:$0x2DB0] =	vst v0  }
0x2a: {  	[tilespmem:$0x2DC0] =	vst v0  }
0x2b: {  	[tilespmem:$0x2DD0] =	vst v0  }
0x2c: {  	[tilespmem:$0x2DE0] =	vst v0  }
0x2d: {  	[tilespmem:$0x2DF0] =	vst v0  }
0x2e: {  	[tilespmem:$0x2E00] =	vst v0  }
0x2f: {  	[tilespmem:$0x2E10] =	vst v0  }
0x30: {  	[tilespmem:$0x2E20] =	vst v0  }
0x31: {  	[tilespmem:$0x2E30] =	vst v0  }
0x32: {  	[tilespmem:$0x2E40] =	vst v0  }
0x33: {  	[tilespmem:$0x2E50] =	vst v0  }
0x34: {  	[tilespmem:$0x2E60] =	vst v0  }
0x35: {  	[tilespmem:$0x2E70] =	vst v0  }
0x36: {  	[tilespmem:$0x2B80] =	vst v1  }
0x37: {  	[tilespmem:$0x2B90] =	vst v1  }
0x38: {  	[tilespmem:$0x2BA0] =	vst v1  }
0x39: {  	[tilespmem:$0x2BB0] =	vst v1  }
0x3a: {  	[tilespmem:$0x2BC0] =	vst v1  }
0x3b: {  	[tilespmem:$0x2BD0] =	vst v1  }
0x3c: {  	[tilespmem:$0x2BE0] =	vst v1  }
0x3d: {  	[tilespmem:$0x2BF0] =	vst v1  }
0x3e: {  	[spmem:s4] =	stream.linear.scatter [tilespmem:s8], [sflag:$0x1], $0x280, $0x38;
	[tilespmem:$0x2E80] =	vst v63  }
0x3f: {  	_ =	swait.ge [sflag:s9], $0x280  }
0x40: {  	[sflag:s9] =	ssyncset.done $0x0  }
0x41: {  	[sflag:s9] =	ssyncadd.s32 $0xFFFFFD80  }
0x42: {  	[tilespmem:s10], [sflag:$0x1] =	stream.linear.gather [hbm4b:s5+s3], $0x2900, $0x38;
	[tilespmem:$0x2E80] =	vst v63  }
0x43: {  	_ =	swait.ge [sflag:s9], $0x2900  }
0x44: {  	[sflag:s9] =	ssyncset.done $0x0  }
0x45: {  	[sflag:s9] =	ssyncadd.s32 $0xFFFFD700  }
0x46: {  	s16 =	simm.s32 $0x280;
	[bflag:$0x0] =	sbarrier.arrive $0xFFFF  }
0x47: {  	[spmem:s2] =	stream.indirect.scatter.add.f32 [tilespmem:s12], [sflag:$0x1], $0x1, s16, s11, $0xb8;
	[tilespmem:$0x2E80] =	vst v63  }
0x48: {  	s16 =	simm.s32 $0x200;
	_ =	swait.ge [sflag:s9], $0x80  }
.LBB2_2:
0x49: {  	s17 =	sshra.s32 s16, $0x2;
	[sflag:s9] =	ssyncset.done $0x0;
	p0 =	sne.s32 s16, $0xA200  }
.Ltmp0:
0x4a: {  	s17 =	sadd.s32 $0x280, s17;
	[sflag:s9] =	ssyncadd.s32 $0xFFFFFF80;
	(pc) =	sbr.rel @p0 .LBB2_2-.Ltmp0, $3  }
0x4b: {  	[spmem:s2] =	stream.indirect.scatter.add.f32 [tilespmem:s12], [sflag:$0x1], $0x1, s17, s11, $0xb8;
	[tilespmem:$0x2E80] =	vst v63  }
0x4c: {  	s16 =	sadd.s32 $0x200, s16;
	_ =	sdelay $0x1  }
0x4d: {  	_ =	swait.ge [sflag:s9], $0x80  }
0x4e: {  	[sflag:s9] =	ssyncset.done $0x0;
	s15 =	sadd.s32 $0x1, s15  }
0x4f: {  	[sflag:s9] =	ssyncadd.s32 $0xFFFFFF80;
	p0 =	sne.s32 s15, s7  }
.Ltmp1:
0x50: {  	[bflag:$0x0] =	sbarrier.arrive $0xFFFF;
	(pc) =	sbr.rel @p0 .LBB2_1-.Ltmp1, $4  }
0x51: {  	[hbm:s6], [sflag:s13] =	dma.local [spmem:s14], $0x50  }
0x52: {  	_ =	swait.ge [sflag:s9], $0x50  }
0x53: {  	[sflag:s9] =	ssyncset.done $0x0  }
0x54: {  	[sflag:s9] =	ssyncadd.s32 $0xFFFFFFB0  }
0x55: {  	_ =	sfence.sel $0x180000  }
0x56: {  	[bflag:$0x0] =	sbarrier.arrive $0xFFFF  }
0x57: {  	p0 =	sne.s32 s0, $0x0;
	_ =	strace $0x90000047  }
0x58: {  	s0 =	sadd.s32 @!p0 $0x100000, s1;
	[bflag:$0x2] =	sbarrier.arrive $0xFFFF  }
0x59: {  	[sflag:s0] =	ssyncadd.tile.s32 @!p0 $0x1;
	_ =	shalt  }
.Lfunc_end2:
_tile_overlayer_lowered:
.L_overlay_start_2:
0x5a: {  	(tag) =	ssettag $0x2  }
0x5b: {  	s0 =	rddreg [dreg:$0x0];
	s2 =	stileid.u32  }
0x5c: {  	s1 =	rddreg [dreg:$0x1];
	p0 =	sne.s32 s2, $0x0  }
0x5d: {  	s3 =	rddreg [dreg:$0x2];
	[bflag:$0x3] =	sbarrier.arrive $0xFFFF;
	s2 =	simm.s32 @!p0 $0x1C01  }
0x5e: {  	[timem:s3], [sflag:s2] =	dma.local @!p0 [hbm:s0], s1  }
0x5f: {  	s0 =	simm.s32 @!p0 $0x1  }
0x60: {  	_ =	swait.ge @!p0 [sflag:s0], s1  }
0x61: {  	s1 =	ssub.s32 @!p0 $0x0, s1;
	[sflag:s0] =	ssyncset.done @!p0 $0x0  }
0x62: {  	[sflag:s0] =	ssyncadd.s32 @!p0 s1  }
0x63: {  	[bflag:$0x3] =	sbarrier.arrive $0xFFFF  }
0x64: {  	_ =	shalt  }

</sc_bundles>
